<compile_context>
chip_gen: v7x
topology: tpu7x:2x2x1
jax: 0.10.2.dev20260603
libtpu: 0.0.44.dev20260713+nightly
codegen_flags: <defaults>
</compile_context>

<pallas_src>
import jax
import jax.numpy as jnp
from jax import lax
from jax.experimental import pallas as pl
from jax.experimental.pallas import tpu as pltpu
from jax.experimental.pallas import tpu_sc as plsc

N = 10000
E = 320000
D_IN = 128
D_HID = 128
D_OUT = 64

NC = 2
NS = 16
EPC = E // NC
EPW = EPC // NS
C = 80
NCH = EPW // C

_MESH = plsc.VectorSubcoreMesh(core_axis_name="c", subcore_axis_name="s")


def _gath_body(g_hbm, src_hbm, out_hbm, sidx, msg, sem):
    cid = lax.axis_index("c")
    sid = lax.axis_index("s")

    def chunk(i, _):
        base = pl.multiple_of(cid * EPC + sid * EPW + i * C, 8)
        pltpu.sync_copy(src_hbm.at[pl.ds(base, C)], sidx)
        pltpu.async_copy(g_hbm.at[sidx], msg, sem).wait()
        pltpu.sync_copy(msg, out_hbm.at[pl.ds(base, C)])
        return 0

    lax.fori_loop(0, NCH, chunk, 0)


_gath = pl.kernel(
    _gath_body,
    out_type=[jax.ShapeDtypeStruct((E, D_HID), jnp.float32)],
    mesh=_MESH,
    scratch_types=[
        pltpu.VMEM((C,), jnp.int32),
        pltpu.VMEM((C, D_HID), jnp.float32),
        pltpu.SemaphoreType.DMA,
    ],
)



EC = 6400
NEB = E // EC
BN = 1000


def _tc_agg_body(dst_ref, msg_ref, agg_ref, cnt_ref, agg2_ref, cnt2_ref,
                 agg3_ref, agg4_ref):

    @pl.when(pl.program_id(0) == 0)
    def _():
        agg_ref[...] = jnp.zeros_like(agg_ref)
        cnt_ref[...] = jnp.zeros_like(cnt_ref)
        agg2_ref[...] = jnp.zeros_like(agg2_ref)
        cnt2_ref[...] = jnp.zeros_like(cnt2_ref)
        agg3_ref[...] = jnp.zeros_like(agg3_ref)
        agg4_ref[...] = jnp.zeros_like(agg4_ref)

    one = jnp.ones((1, 16), jnp.float32)

    def quad(j, _):
        e = 4 * j
        d0 = dst_ref[0, e]
        d1 = dst_ref[0, e + 1]
        d2 = dst_ref[0, e + 2]
        d3 = dst_ref[0, e + 3]
        agg_ref[pl.ds(d0, 1), :] += msg_ref[pl.ds(e, 1), :]
        agg2_ref[pl.ds(d1, 1), :] += msg_ref[pl.ds(e + 1, 1), :]
        agg3_ref[pl.ds(d2, 1), :] += msg_ref[pl.ds(e + 2, 1), :]
        agg4_ref[pl.ds(d3, 1), :] += msg_ref[pl.ds(e + 3, 1), :]
        cnt_ref[pl.ds(d0, 1), :] += one
        cnt2_ref[pl.ds(d1, 1), :] += one
        cnt_ref[pl.ds(d2, 1), :] += one
        cnt2_ref[pl.ds(d3, 1), :] += one
        return 0

    lax.fori_loop(0, EC // 4, quad, 0, unroll=2)

    @pl.when(pl.program_id(0) == NEB - 1)
    def _():
        agg_ref[...] += agg2_ref[...] + agg3_ref[...] + agg4_ref[...]
        cnt_ref[...] += cnt2_ref[...]


def _tc_agg_nc_body(dst_ref, msg_ref, agg_ref, agg2_ref, agg3_ref,
                    agg4_ref):

    @pl.when(pl.program_id(0) == 0)
    def _():
        agg_ref[...] = jnp.zeros_like(agg_ref)
        agg2_ref[...] = jnp.zeros_like(agg2_ref)
        agg3_ref[...] = jnp.zeros_like(agg3_ref)
        agg4_ref[...] = jnp.zeros_like(agg4_ref)

    def quad(j, _):
        e = 4 * j
        d0 = dst_ref[0, e]
        d1 = dst_ref[0, e + 1]
        d2 = dst_ref[0, e + 2]
        d3 = dst_ref[0, e + 3]
        agg_ref[pl.ds(d0, 1), :] += msg_ref[pl.ds(e, 1), :]
        agg2_ref[pl.ds(d1, 1), :] += msg_ref[pl.ds(e + 1, 1), :]
        agg3_ref[pl.ds(d2, 1), :] += msg_ref[pl.ds(e + 2, 1), :]
        agg4_ref[pl.ds(d3, 1), :] += msg_ref[pl.ds(e + 3, 1), :]
        return 0

    lax.fori_loop(0, EC // 4, quad, 0, unroll=2)

    @pl.when(pl.program_id(0) == NEB - 1)
    def _():
        agg_ref[...] += agg2_ref[...] + agg3_ref[...] + agg4_ref[...]


_tc_agg_nc = pl.pallas_call(
    _tc_agg_nc_body,
    grid=(NEB,),
    in_specs=[
        pl.BlockSpec((1, EC), lambda i: (0, i), memory_space=pltpu.SMEM),
        pl.BlockSpec((EC, D_HID), lambda i: (i, 0)),
    ],
    out_specs=[
        pl.BlockSpec((N, D_HID), lambda i: (0, 0)),
        pl.BlockSpec((N, D_HID), lambda i: (0, 0)),
        pl.BlockSpec((N, D_HID), lambda i: (0, 0)),
        pl.BlockSpec((N, D_HID), lambda i: (0, 0)),
    ],
    out_shape=[
        jax.ShapeDtypeStruct((N, D_HID), jnp.float32),
        jax.ShapeDtypeStruct((N, D_HID), jnp.float32),
        jax.ShapeDtypeStruct((N, D_HID), jnp.float32),
        jax.ShapeDtypeStruct((N, D_HID), jnp.float32),
    ],
)


_tc_agg = pl.pallas_call(
    _tc_agg_body,
    grid=(NEB,),
    in_specs=[
        pl.BlockSpec((1, EC), lambda i: (0, i), memory_space=pltpu.SMEM),
        pl.BlockSpec((EC, D_HID), lambda i: (i, 0)),
    ],
    out_specs=[
        pl.BlockSpec((N, D_HID), lambda i: (0, 0)),
        pl.BlockSpec((N, 16), lambda i: (0, 0)),
        pl.BlockSpec((N, D_HID), lambda i: (0, 0)),
        pl.BlockSpec((N, 16), lambda i: (0, 0)),
        pl.BlockSpec((N, D_HID), lambda i: (0, 0)),
        pl.BlockSpec((N, D_HID), lambda i: (0, 0)),
    ],
    out_shape=[
        jax.ShapeDtypeStruct((N, D_HID), jnp.float32),
        jax.ShapeDtypeStruct((N, 16), jnp.float32),
        jax.ShapeDtypeStruct((N, D_HID), jnp.float32),
        jax.ShapeDtypeStruct((N, 16), jnp.float32),
        jax.ShapeDtypeStruct((N, D_HID), jnp.float32),
        jax.ShapeDtypeStruct((N, D_HID), jnp.float32),
    ],
)


def _matT(a, w):
    return lax.dot_general(a, w, (((1,), (1,)), ((), ())),
                           preferred_element_type=jnp.float32)


def _inproj_body(x_ref, w_ref, b_ref, h0_ref, hr_ref):
    h0 = _matT(x_ref[...], w_ref[...]) + b_ref[...]
    h0_ref[...] = h0
    hr_ref[...] = jnp.maximum(h0, 0.0)


_inproj = pl.pallas_call(
    _inproj_body,
    grid=(N // BN,),
    in_specs=[
        pl.BlockSpec((BN, D_IN), lambda i: (i, 0)),
        pl.BlockSpec((D_HID, D_IN), lambda i: (0, 0)),
        pl.BlockSpec((1, D_HID), lambda i: (0, 0)),
    ],
    out_specs=[
        pl.BlockSpec((BN, D_HID), lambda i: (i, 0)),
        pl.BlockSpec((BN, D_HID), lambda i: (i, 0)),
    ],
    out_shape=[
        jax.ShapeDtypeStruct((N, D_HID), jnp.float32),
        jax.ShapeDtypeStruct((N, D_HID), jnp.float32),
    ],
)


def _sage_body(agg_ref, cnt_ref, h_ref, h0_ref, wl_ref, wr_ref, b_ref,
               g_ref, z_ref, hn_ref, gn_ref):
    inv = 1.0 / jnp.maximum(cnt_ref[:, 0:1], 1.0)
    mean = agg_ref[...] * inv
    z = _matT(mean, wl_ref[...]) + _matT(h_ref[...], wr_ref[...]) + b_ref[...]
    z_ref[...] = z
    hn = jnp.maximum(z, 0.0) + 0.2 * h0_ref[...]
    hn_ref[...] = hn
    gn_ref[...] = _matT(hn, g_ref[...])


_sage = pl.pallas_call(
    _sage_body,
    grid=(N // BN,),
    in_specs=[
        pl.BlockSpec((BN, D_HID), lambda i: (i, 0)),
        pl.BlockSpec((BN, 16), lambda i: (i, 0)),
        pl.BlockSpec((BN, D_HID), lambda i: (i, 0)),
        pl.BlockSpec((BN, D_HID), lambda i: (i, 0)),
        pl.BlockSpec((D_HID, D_HID), lambda i: (0, 0)),
        pl.BlockSpec((D_HID, D_HID), lambda i: (0, 0)),
        pl.BlockSpec((1, D_HID), lambda i: (0, 0)),
        pl.BlockSpec((D_HID, D_HID), lambda i: (0, 0)),
    ],
    out_specs=[
        pl.BlockSpec((BN, D_HID), lambda i: (i, 0)),
        pl.BlockSpec((BN, D_HID), lambda i: (i, 0)),
        pl.BlockSpec((BN, D_HID), lambda i: (i, 0)),
    ],
    out_shape=[
        jax.ShapeDtypeStruct((N, D_HID), jnp.float32),
        jax.ShapeDtypeStruct((N, D_HID), jnp.float32),
        jax.ShapeDtypeStruct((N, D_HID), jnp.float32),
    ],
)


def _final_body(z_ref, out_ref):
    z = z_ref[:, :D_OUT]
    z = z - jnp.max(z, axis=-1, keepdims=True)
    out_ref[...] = z - jnp.log(jnp.sum(jnp.exp(z), axis=-1, keepdims=True))


_final = pl.pallas_call(
    _final_body,
    grid=(N // BN,),
    in_specs=[pl.BlockSpec((BN, D_HID), lambda i: (i, 0))],
    out_specs=pl.BlockSpec((BN, D_OUT), lambda i: (i, 0)),
    out_shape=jax.ShapeDtypeStruct((N, D_OUT), jnp.float32),
)


def kernel(x, edge_index, W_in, b_in, Wl0, Wr0, b0, Wl1, Wr1, b1,
           Wl2, Wr2, b2):
    src = edge_index[0]
    dst2d = edge_index[1].reshape(1, E)

    h0, r = _inproj(x, W_in, b_in.reshape(1, -1))

    eye = jnp.eye(D_HID, dtype=jnp.float32)
    wl2p = jnp.zeros((D_HID, D_HID), jnp.float32).at[:D_OUT].set(Wl2)
    wr2p = jnp.zeros((D_HID, D_HID), jnp.float32).at[:D_OUT].set(Wr2)
    b2p = jnp.zeros((D_HID,), jnp.float32).at[:D_OUT].set(b2)

    def layer(g, h, wl, wr, b, gm, cnt=None):
        (msg,) = _gath(g, src)
        if cnt is None:
            agg, cnt, _, _, _, _ = _tc_agg(dst2d, msg)
        else:
            agg, _, _, _ = _tc_agg_nc(dst2d, msg)
        return _sage(agg, cnt, h, h0, wl, wr, b.reshape(1, -1), gm), cnt

    (_, h1, g1), cnt = layer(r, r, Wl0, Wr0, b0, eye)
    (_, h2, g2), _ = layer(g1, h1, Wl1, Wr1, b1, wl2p, cnt)
    (z2, _, _), _ = layer(g2, h2, eye, wr2p, b2p, eye, cnt)
    return _final(z2)

# --- scband reference (transcript-rebuilt; emitter-appended) ---
"""Pipeline reference for scband-gcn-47004122087951 (READ-ONLY COPY).

The authoritative reference and input builder live on the scoring server;
editing this copy changes nothing except your own understanding.
"""

import jax, jax.numpy as jnp
import numpy as np

N = 10000
E = 320000
D_IN = 128
D_HID = 128
D_OUT = 64


def setup_inputs(seed: int = 0) -> dict:
    key = jax.random.key(seed)
    ks = jax.random.split(key, 12)
    x = jax.random.normal(ks[0], (N, D_IN), dtype=jnp.float32)
    edge_index = jax.random.randint(ks[1], (2, E), 0, N, dtype=jnp.int32)
    W_in = jax.random.normal(ks[2], (D_HID, D_IN), dtype=jnp.float32) * 0.05
    b_in = jnp.zeros((D_HID,), dtype=jnp.float32)
    Wl0 = jax.random.normal(ks[3], (D_HID, D_HID), dtype=jnp.float32) * 0.05
    Wr0 = jax.random.normal(ks[4], (D_HID, D_HID), dtype=jnp.float32) * 0.05
    b0 = jnp.zeros((D_HID,), dtype=jnp.float32)
    Wl1 = jax.random.normal(ks[5], (D_HID, D_HID), dtype=jnp.float32) * 0.05
    Wr1 = jax.random.normal(ks[6], (D_HID, D_HID), dtype=jnp.float32) * 0.05
    b1 = jnp.zeros((D_HID,), dtype=jnp.float32)
    Wl2 = jax.random.normal(ks[7], (D_OUT, D_HID), dtype=jnp.float32) * 0.05
    Wr2 = jax.random.normal(ks[8], (D_OUT, D_HID), dtype=jnp.float32) * 0.05
    b2 = jnp.zeros((D_OUT,), dtype=jnp.float32)
    return {"x": x, "edge_index": edge_index, "W_in": W_in, "b_in": b_in,
            "Wl0": Wl0, "Wr0": Wr0, "b0": b0,
            "Wl1": Wl1, "Wr1": Wr1, "b1": b1,
            "Wl2": Wl2, "Wr2": Wr2, "b2": b2}


def reference(x, edge_index, W_in, b_in, Wl0, Wr0, b0, Wl1, Wr1, b1, Wl2, Wr2, b2):
    # Faithful translation of GCN.forward with PyG SAGEConv (mean aggregation,
    # root weight, bias). Dropout is treated as identity (eval-mode/deterministic).
    src = edge_index[0]
    dst = edge_index[1]

    def sage(h, Wl, Wr, b):
        msg = jnp.take(h, src, axis=0)                      # gather source features [E, d]
        agg = jax.ops.segment_sum(msg, dst, num_segments=N) # scatter-add to dst nodes
        cnt = jax.ops.segment_sum(jnp.ones((E,), dtype=h.dtype), dst, num_segments=N)
        mean = agg / jnp.clip(cnt, 1.0)[:, None]
        return mean @ Wl.T + h @ Wr.T + b

    h = x @ W_in.T + b_in   # inProj
    inp = h
    h = jax.nn.relu(h)
    # conv 0
    h = sage(h, Wl0, Wr0, b0)
    h = jax.nn.relu(h)
    h = h + 0.2 * inp
    # conv 1
    h = sage(h, Wl1, Wr1, b1)
    h = jax.nn.relu(h)
    h = h + 0.2 * inp
    # conv 2 (last)
    h = sage(h, Wl2, Wr2, b2)
    return jax.nn.log_softmax(h, axis=-1)

if __name__ == "__main__":
    import jax
    _d = setup_inputs()
    print(jax.jit(kernel)(*tuple(_d.values())))

</pallas_src>

<mosaic_0001>
#map = affine_map<(d0, d1) -> (0, 0)>
#map1 = affine_map<(d0, d1) -> (0)>
module attributes {stable_mosaic.version = 14 : i64} {
  func.func @_gath_body(%arg0: i32, %arg1: i32, %arg2: memref<10000x128xf32, #tpu.memory_space<hbm>>, %arg3: memref<320000xi32, #tpu.memory_space<hbm>>, %arg4: memref<320000x128xf32, #tpu.memory_space<hbm>>, %arg5: memref<80xi32, #tpu.memory_space<vmem>>, %arg6: memref<80x128xf32, #tpu.memory_space<vmem>>, %arg7: memref<!tpu.dma_semaphore, #tpu.memory_space<semaphore_mem>>) attributes {dimension_semantics = [#tpu.dimension_semantics<core_parallel>, #tpu.dimension_semantics<subcore_parallel>], iteration_bounds = array<i64: 2, 16>, scalar_prefetch = 0 : i64, scratch_operands = 3 : i64, tpu.core_type = #tpu.core_type<sc_vector_subcore>, window_params = [{transform_indices = #map}, {transform_indices = #map1}, {transform_indices = #map}]} {
    %scan3A = arith.constant 0 : i32
    %scan3A_0 = arith.constant 0 : i32
    %scan3A_1 = arith.constant 125 : i32
    %scan3A_2 = arith.addi %scan3A_0, %scan3A_1 : i32
    %scan3A_3 = arith.constant 1 : i32
    %scan3A_4 = scf.for %scan3A_6 = %scan3A_0 to %scan3A_2 step %scan3A_3 iter_args(%scan3A_7 = %scan3A) -> (i32)  : i32 {
      %mul3A = arith.constant 160000 : i32
      %mul3A_8 = arith.muli %arg0, %mul3A : i32
      %mul3A_9 = arith.constant 10000 : i32
      %mul3A_10 = arith.muli %arg1, %mul3A_9 : i32
      %add3A = arith.addi %mul3A_8, %mul3A_10 : i32
      %mul3A_11 = arith.constant 80 : i32
      %mul3A_12 = arith.muli %scan3A_6, %mul3A_11 : i32
      %add3A_13 = arith.addi %add3A, %mul3A_12 : i32
      %multiple_of3A = tpu.assume_multiple %add3A_13, 8 : i32
      "tpu.region"() ({
        %run_scoped3A = tpu.sem_alloc : memref<!tpu.dma_semaphore, #tpu.memory_space<semaphore_mem>>
        %dma_start3A_19 = tpu.memref_slice %arg3[%multiple_of3A] : memref<320000xi32, #tpu.memory_space<hbm>> -> memref<80xi32, #tpu.memory_space<hbm>>
        %dma_start3A_20 = tpu.memref_slice %arg3[%multiple_of3A] : memref<320000xi32, #tpu.memory_space<hbm>> -> memref<80xi32, #tpu.memory_space<hbm>>
        tpu.enqueue_dma source(%dma_start3A_20 : memref<80xi32, #tpu.memory_space<hbm>>) target(%arg5 : memref<80xi32, #tpu.memory_space<vmem>>) target_semaphore(%run_scoped3A : memref<!tpu.dma_semaphore, #tpu.memory_space<semaphore_mem>>)
        %dma_wait3A_21 = tpu.memref_slice %arg3[%multiple_of3A] : memref<320000xi32, #tpu.memory_space<hbm>> -> memref<80xi32, #tpu.memory_space<hbm>>
        %dma_wait3A_22 = tpu.memref_slice %arg3[%multiple_of3A] : memref<320000xi32, #tpu.memory_space<hbm>> -> memref<80xi32, #tpu.memory_space<hbm>>
        tpu.wait_dma2 semaphore(%run_scoped3A : memref<!tpu.dma_semaphore, #tpu.memory_space<semaphore_mem>>) src(%dma_wait3A_22 : memref<80xi32, #tpu.memory_space<hbm>>) dst(%arg5 : memref<80xi32, #tpu.memory_space<vmem>>)
        tpu.yield
      }) : () -> ()
      %dma_start3A = arith.constant 0 : i32
      %dma_start3A_14 = arith.constant 0 : i32
      %dma_start3A_15 = tpu.memref_slice %arg2[%dma_start3A, %dma_start3A_14] : memref<10000x128xf32, #tpu.memory_space<hbm>> -> memref<10000x128xf32, #tpu.memory_space<hbm>>
      tpu.enqueue_indirect_dma source(%dma_start3A_15 : memref<10000x128xf32, #tpu.memory_space<hbm>>) target(%arg6 : memref<80x128xf32, #tpu.memory_space<vmem>>) offsets(%arg5 : memref<80xi32, #tpu.memory_space<vmem>>) semaphore(%arg7 : memref<!tpu.dma_semaphore, #tpu.memory_space<semaphore_mem>>)
      %dma_wait3A = arith.constant 0 : i32
      %dma_wait3A_16 = arith.constant 0 : i32
      %dma_wait3A_17 = tpu.memref_slice %arg2[%dma_wait3A, %dma_wait3A_16] : memref<10000x128xf32, #tpu.memory_space<hbm>> -> memref<10000x128xf32, #tpu.memory_space<hbm>>
      tpu.wait_indirect_dma semaphore(%arg7 : memref<!tpu.dma_semaphore, #tpu.memory_space<semaphore_mem>>) src(%dma_wait3A_17 : memref<10000x128xf32, #tpu.memory_space<hbm>>) dst(%arg6 : memref<80x128xf32, #tpu.memory_space<vmem>>)
      "tpu.region"() ({
        %run_scoped3A = tpu.sem_alloc : memref<!tpu.dma_semaphore, #tpu.memory_space<semaphore_mem>>
        %dma_start3A_19 = arith.constant 0 : i32
        %dma_start3A_20 = tpu.memref_slice %arg4[%multiple_of3A, %dma_start3A_19] : memref<320000x128xf32, #tpu.memory_space<hbm>> -> memref<80x128xf32, #tpu.memory_space<hbm>>
        %dma_start3A_21 = arith.constant 0 : i32
        %dma_start3A_22 = tpu.memref_slice %arg4[%multiple_of3A, %dma_start3A_21] : memref<320000x128xf32, #tpu.memory_space<hbm>> -> memref<80x128xf32, #tpu.memory_space<hbm>>
        tpu.enqueue_dma source(%arg6 : memref<80x128xf32, #tpu.memory_space<vmem>>) target(%dma_start3A_22 : memref<80x128xf32, #tpu.memory_space<hbm>>) target_semaphore(%run_scoped3A : memref<!tpu.dma_semaphore, #tpu.memory_space<semaphore_mem>>)
        %dma_wait3A_23 = arith.constant 0 : i32
        %dma_wait3A_24 = tpu.memref_slice %arg4[%multiple_of3A, %dma_wait3A_23] : memref<320000x128xf32, #tpu.memory_space<hbm>> -> memref<80x128xf32, #tpu.memory_space<hbm>>
        %dma_wait3A_25 = arith.constant 0 : i32
        %dma_wait3A_26 = tpu.memref_slice %arg4[%multiple_of3A, %dma_wait3A_25] : memref<320000x128xf32, #tpu.memory_space<hbm>> -> memref<80x128xf32, #tpu.memory_space<hbm>>
        tpu.wait_dma2 semaphore(%run_scoped3A : memref<!tpu.dma_semaphore, #tpu.memory_space<semaphore_mem>>) src(%arg6 : memref<80x128xf32, #tpu.memory_space<vmem>>) dst(%dma_wait3A_26 : memref<80x128xf32, #tpu.memory_space<hbm>>)
        tpu.yield
      }) : () -> ()
      %scan3A_18 = arith.constant 0 : i32
      scf.yield %scan3A_18 : i32
    }
    %scan3A_5 = arith.constant 125 : i32
    return
  }
}

#map = affine_map<(d0, d1) -> (0, 0)>
#map1 = affine_map<(d0, d1) -> (0)>
module attributes {stable_mosaic.version = 14 : i64} {
  func.func @_gath_body(%arg0: i32, %arg1: i32, %arg2: memref<10000x128xf32, #tpu.memory_space<hbm>>, %arg3: memref<320000xi32, #tpu.memory_space<hbm>>, %arg4: memref<320000x128xf32, #tpu.memory_space<hbm>>, %arg5: memref<80xi32, #tpu.memory_space<vmem>>, %arg6: memref<80x128xf32, #tpu.memory_space<vmem>>, %arg7: memref<!tpu.dma_semaphore, #tpu.memory_space<semaphore_mem>>) attributes {dimension_semantics = [#tpu.dimension_semantics<core_parallel>, #tpu.dimension_semantics<subcore_parallel>], iteration_bounds = array<i64: 2, 16>, scalar_prefetch = 0 : i64, scratch_operands = 3 : i64, tpu.core_type = #tpu.core_type<sc_vector_subcore>, window_params = [{transform_indices = #map}, {transform_indices = #map1}, {transform_indices = #map}]} {
    %scan3A = arith.constant 0 : i32
    %scan3A_0 = arith.constant 0 : i32
    %scan3A_1 = arith.constant 125 : i32
    %scan3A_2 = arith.addi %scan3A_0, %scan3A_1 : i32
    %scan3A_3 = arith.constant 1 : i32
    %scan3A_4 = scf.for %scan3A_6 = %scan3A_0 to %scan3A_2 step %scan3A_3 iter_args(%scan3A_7 = %scan3A) -> (i32)  : i32 {
      %mul3A = arith.constant 160000 : i32
      %mul3A_8 = arith.muli %arg0, %mul3A : i32
      %mul3A_9 = arith.constant 10000 : i32
      %mul3A_10 = arith.muli %arg1, %mul3A_9 : i32
      %add3A = arith.addi %mul3A_8, %mul3A_10 : i32
      %mul3A_11 = arith.constant 80 : i32
      %mul3A_12 = arith.muli %scan3A_6, %mul3A_11 : i32
      %add3A_13 = arith.addi %add3A, %mul3A_12 : i32
      %multiple_of3A = tpu.assume_multiple %add3A_13, 8 : i32
      "tpu.region"() ({
        %run_scoped3A = tpu.sem_alloc : memref<!tpu.dma_semaphore, #tpu.memory_space<semaphore_mem>>
        %dma_start3A_19 = tpu.memref_slice %arg3[%multiple_of3A] : memref<320000xi32, #tpu.memory_space<hbm>> -> memref<80xi32, #tpu.memory_space<hbm>>
        %dma_start3A_20 = tpu.memref_slice %arg3[%multiple_of3A] : memref<320000xi32, #tpu.memory_space<hbm>> -> memref<80xi32, #tpu.memory_space<hbm>>
        tpu.enqueue_dma source(%dma_start3A_20 : memref<80xi32, #tpu.memory_space<hbm>>) target(%arg5 : memref<80xi32, #tpu.memory_space<vmem>>) target_semaphore(%run_scoped3A : memref<!tpu.dma_semaphore, #tpu.memory_space<semaphore_mem>>)
        %dma_wait3A_21 = tpu.memref_slice %arg3[%multiple_of3A] : memref<320000xi32, #tpu.memory_space<hbm>> -> memref<80xi32, #tpu.memory_space<hbm>>
        %dma_wait3A_22 = tpu.memref_slice %arg3[%multiple_of3A] : memref<320000xi32, #tpu.memory_space<hbm>> -> memref<80xi32, #tpu.memory_space<hbm>>
        tpu.wait_dma2 semaphore(%run_scoped3A : memref<!tpu.dma_semaphore, #tpu.memory_space<semaphore_mem>>) src(%dma_wait3A_22 : memref<80xi32, #tpu.memory_space<hbm>>) dst(%arg5 : memref<80xi32, #tpu.memory_space<vmem>>)
        tpu.yield
      }) : () -> ()
      %dma_start3A = arith.constant 0 : i32
      %dma_start3A_14 = arith.constant 0 : i32
      %dma_start3A_15 = tpu.memref_slice %arg2[%dma_start3A, %dma_start3A_14] : memref<10000x128xf32, #tpu.memory_space<hbm>> -> memref<10000x128xf32, #tpu.memory_space<hbm>>
      tpu.enqueue_indirect_dma source(%dma_start3A_15 : memref<10000x128xf32, #tpu.memory_space<hbm>>) target(%arg6 : memref<80x128xf32, #tpu.memory_space<vmem>>) offsets(%arg5 : memref<80xi32, #tpu.memory_space<vmem>>) semaphore(%arg7 : memref<!tpu.dma_semaphore, #tpu.memory_space<semaphore_mem>>)
      %dma_wait3A = arith.constant 0 : i32
      %dma_wait3A_16 = arith.constant 0 : i32
      %dma_wait3A_17 = tpu.memref_slice %arg2[%dma_wait3A, %dma_wait3A_16] : memref<10000x128xf32, #tpu.memory_space<hbm>> -> memref<10000x128xf32, #tpu.memory_space<hbm>>
      tpu.wait_indirect_dma semaphore(%arg7 : memref<!tpu.dma_semaphore, #tpu.memory_space<semaphore_mem>>) src(%dma_wait3A_17 : memref<10000x128xf32, #tpu.memory_space<hbm>>) dst(%arg6 : memref<80x128xf32, #tpu.memory_space<vmem>>)
      "tpu.region"() ({
        %run_scoped3A = tpu.sem_alloc : memref<!tpu.dma_semaphore, #tpu.memory_space<semaphore_mem>>
        %dma_start3A_19 = arith.constant 0 : i32
        %dma_start3A_20 = tpu.memref_slice %arg4[%multiple_of3A, %dma_start3A_19] : memref<320000x128xf32, #tpu.memory_space<hbm>> -> memref<80x128xf32, #tpu.memory_space<hbm>>
        %dma_start3A_21 = arith.constant 0 : i32
        %dma_start3A_22 = tpu.memref_slice %arg4[%multiple_of3A, %dma_start3A_21] : memref<320000x128xf32, #tpu.memory_space<hbm>> -> memref<80x128xf32, #tpu.memory_space<hbm>>
        tpu.enqueue_dma source(%arg6 : memref<80x128xf32, #tpu.memory_space<vmem>>) target(%dma_start3A_22 : memref<80x128xf32, #tpu.memory_space<hbm>>) target_semaphore(%run_scoped3A : memref<!tpu.dma_semaphore, #tpu.memory_space<semaphore_mem>>)
        %dma_wait3A_23 = arith.constant 0 : i32
        %dma_wait3A_24 = tpu.memref_slice %arg4[%multiple_of3A, %dma_wait3A_23] : memref<320000x128xf32, #tpu.memory_space<hbm>> -> memref<80x128xf32, #tpu.memory_space<hbm>>
        %dma_wait3A_25 = arith.constant 0 : i32
        %dma_wait3A_26 = tpu.memref_slice %arg4[%multiple_of3A, %dma_wait3A_25] : memref<320000x128xf32, #tpu.memory_space<hbm>> -> memref<80x128xf32, #tpu.memory_space<hbm>>
        tpu.wait_dma2 semaphore(%run_scoped3A : memref<!tpu.dma_semaphore, #tpu.memory_space<semaphore_mem>>) src(%arg6 : memref<80x128xf32, #tpu.memory_space<vmem>>) dst(%dma_wait3A_26 : memref<80x128xf32, #tpu.memory_space<hbm>>)
        tpu.yield
      }) : () -> ()
      %scan3A_18 = arith.constant 0 : i32
      scf.yield %scan3A_18 : i32
    }
    %scan3A_5 = arith.constant 125 : i32
    return
  }
}

#map = affine_map<(d0, d1) -> (0, 0)>
#map1 = affine_map<(d0, d1) -> (0)>
module attributes {stable_mosaic.version = 14 : i64} {
  func.func @_gath_body(%arg0: i32, %arg1: i32, %arg2: memref<10000x128xf32, #tpu.memory_space<hbm>>, %arg3: memref<320000xi32, #tpu.memory_space<hbm>>, %arg4: memref<320000x128xf32, #tpu.memory_space<hbm>>, %arg5: memref<80xi32, #tpu.memory_space<vmem>>, %arg6: memref<80x128xf32, #tpu.memory_space<vmem>>, %arg7: memref<!tpu.dma_semaphore, #tpu.memory_space<semaphore_mem>>) attributes {dimension_semantics = [#tpu.dimension_semantics<core_parallel>, #tpu.dimension_semantics<subcore_parallel>], iteration_bounds = array<i64: 2, 16>, scalar_prefetch = 0 : i64, scratch_operands = 3 : i64, tpu.core_type = #tpu.core_type<sc_vector_subcore>, window_params = [{transform_indices = #map}, {transform_indices = #map1}, {transform_indices = #map}]} {
    %scan3A = arith.constant 0 : i32
    %scan3A_0 = arith.constant 0 : i32
    %scan3A_1 = arith.constant 125 : i32
    %scan3A_2 = arith.addi %scan3A_0, %scan3A_1 : i32
    %scan3A_3 = arith.constant 1 : i32
    %scan3A_4 = scf.for %scan3A_6 = %scan3A_0 to %scan3A_2 step %scan3A_3 iter_args(%scan3A_7 = %scan3A) -> (i32)  : i32 {
      %mul3A = arith.constant 160000 : i32
      %mul3A_8 = arith.muli %arg0, %mul3A : i32
      %mul3A_9 = arith.constant 10000 : i32
      %mul3A_10 = arith.muli %arg1, %mul3A_9 : i32
      %add3A = arith.addi %mul3A_8, %mul3A_10 : i32
      %mul3A_11 = arith.constant 80 : i32
      %mul3A_12 = arith.muli %scan3A_6, %mul3A_11 : i32
      %add3A_13 = arith.addi %add3A, %mul3A_12 : i32
      %multiple_of3A = tpu.assume_multiple %add3A_13, 8 : i32
      "tpu.region"() ({
        %run_scoped3A = tpu.sem_alloc : memref<!tpu.dma_semaphore, #tpu.memory_space<semaphore_mem>>
        %dma_start3A_19 = tpu.memref_slice %arg3[%multiple_of3A] : memref<320000xi32, #tpu.memory_space<hbm>> -> memref<80xi32, #tpu.memory_space<hbm>>
        %dma_start3A_20 = tpu.memref_slice %arg3[%multiple_of3A] : memref<320000xi32, #tpu.memory_space<hbm>> -> memref<80xi32, #tpu.memory_space<hbm>>
        tpu.enqueue_dma source(%dma_start3A_20 : memref<80xi32, #tpu.memory_space<hbm>>) target(%arg5 : memref<80xi32, #tpu.memory_space<vmem>>) target_semaphore(%run_scoped3A : memref<!tpu.dma_semaphore, #tpu.memory_space<semaphore_mem>>)
        %dma_wait3A_21 = tpu.memref_slice %arg3[%multiple_of3A] : memref<320000xi32, #tpu.memory_space<hbm>> -> memref<80xi32, #tpu.memory_space<hbm>>
        %dma_wait3A_22 = tpu.memref_slice %arg3[%multiple_of3A] : memref<320000xi32, #tpu.memory_space<hbm>> -> memref<80xi32, #tpu.memory_space<hbm>>
        tpu.wait_dma2 semaphore(%run_scoped3A : memref<!tpu.dma_semaphore, #tpu.memory_space<semaphore_mem>>) src(%dma_wait3A_22 : memref<80xi32, #tpu.memory_space<hbm>>) dst(%arg5 : memref<80xi32, #tpu.memory_space<vmem>>)
        tpu.yield
      }) : () -> ()
      %dma_start3A = arith.constant 0 : i32
      %dma_start3A_14 = arith.constant 0 : i32
      %dma_start3A_15 = tpu.memref_slice %arg2[%dma_start3A, %dma_start3A_14] : memref<10000x128xf32, #tpu.memory_space<hbm>> -> memref<10000x128xf32, #tpu.memory_space<hbm>>
      tpu.enqueue_indirect_dma source(%dma_start3A_15 : memref<10000x128xf32, #tpu.memory_space<hbm>>) target(%arg6 : memref<80x128xf32, #tpu.memory_space<vmem>>) offsets(%arg5 : memref<80xi32, #tpu.memory_space<vmem>>) semaphore(%arg7 : memref<!tpu.dma_semaphore, #tpu.memory_space<semaphore_mem>>)
      %dma_wait3A = arith.constant 0 : i32
      %dma_wait3A_16 = arith.constant 0 : i32
      %dma_wait3A_17 = tpu.memref_slice %arg2[%dma_wait3A, %dma_wait3A_16] : memref<10000x128xf32, #tpu.memory_space<hbm>> -> memref<10000x128xf32, #tpu.memory_space<hbm>>
      tpu.wait_indirect_dma semaphore(%arg7 : memref<!tpu.dma_semaphore, #tpu.memory_space<semaphore_mem>>) src(%dma_wait3A_17 : memref<10000x128xf32, #tpu.memory_space<hbm>>) dst(%arg6 : memref<80x128xf32, #tpu.memory_space<vmem>>)
      "tpu.region"() ({
        %run_scoped3A = tpu.sem_alloc : memref<!tpu.dma_semaphore, #tpu.memory_space<semaphore_mem>>
        %dma_start3A_19 = arith.constant 0 : i32
        %dma_start3A_20 = tpu.memref_slice %arg4[%multiple_of3A, %dma_start3A_19] : memref<320000x128xf32, #tpu.memory_space<hbm>> -> memref<80x128xf32, #tpu.memory_space<hbm>>
        %dma_start3A_21 = arith.constant 0 : i32
        %dma_start3A_22 = tpu.memref_slice %arg4[%multiple_of3A, %dma_start3A_21] : memref<320000x128xf32, #tpu.memory_space<hbm>> -> memref<80x128xf32, #tpu.memory_space<hbm>>
        tpu.enqueue_dma source(%arg6 : memref<80x128xf32, #tpu.memory_space<vmem>>) target(%dma_start3A_22 : memref<80x128xf32, #tpu.memory_space<hbm>>) target_semaphore(%run_scoped3A : memref<!tpu.dma_semaphore, #tpu.memory_space<semaphore_mem>>)
        %dma_wait3A_23 = arith.constant 0 : i32
        %dma_wait3A_24 = tpu.memref_slice %arg4[%multiple_of3A, %dma_wait3A_23] : memref<320000x128xf32, #tpu.memory_space<hbm>> -> memref<80x128xf32, #tpu.memory_space<hbm>>
        %dma_wait3A_25 = arith.constant 0 : i32
        %dma_wait3A_26 = tpu.memref_slice %arg4[%multiple_of3A, %dma_wait3A_25] : memref<320000x128xf32, #tpu.memory_space<hbm>> -> memref<80x128xf32, #tpu.memory_space<hbm>>
        tpu.wait_dma2 semaphore(%run_scoped3A : memref<!tpu.dma_semaphore, #tpu.memory_space<semaphore_mem>>) src(%arg6 : memref<80x128xf32, #tpu.memory_space<vmem>>) dst(%dma_wait3A_26 : memref<80x128xf32, #tpu.memory_space<hbm>>)
        tpu.yield
      }) : () -> ()
      %scan3A_18 = arith.constant 0 : i32
      scf.yield %scan3A_18 : i32
    }
    %scan3A_5 = arith.constant 125 : i32
    return
  }
}

module attributes {stable_mosaic.version = 14 : i64} {
  func.func @_inproj_body(%arg0: i32, %arg1: memref<1000x128xf32, #tpu.memory_space<vmem>>, %arg2: memref<128x128xf32, #tpu.memory_space<vmem>>, %arg3: memref<1x128xf32, #tpu.memory_space<vmem>>, %arg4: memref<1000x128xf32, #tpu.memory_space<vmem>>, %arg5: memref<1000x128xf32, #tpu.memory_space<vmem>>) attributes {dimension_semantics = [#tpu.dimension_semantics<arbitrary>], iteration_bounds = array<i64: 10>, scalar_prefetch = 0 : i64, scratch_operands = 0 : i64, tpu.core_type = #tpu.core_type<tc>, window_params = [{transform_indices = @transform_0, window_bounds = array<i64: 1000, 128>}, {pipeline_mode = #tpu.pipeline_mode<synchronous>, transform_indices = @transform_1, window_bounds = array<i64: 128, 128>}, {pipeline_mode = #tpu.pipeline_mode<synchronous>, transform_indices = @transform_2, window_bounds = array<i64: 1, 128>}, {transform_indices = @transform_3, window_bounds = array<i64: 1000, 128>}, {transform_indices = @transform_4, window_bounds = array<i64: 1000, 128>}]} {
    %get3A = arith.constant 0 : index
    %get3A_0 = arith.constant 0 : index
    %get3A_1 = vector.load %arg1[%get3A, %get3A_0] : memref<1000x128xf32, #tpu.memory_space<vmem>>, vector<1000x128xf32>
    %get3A_2 = arith.constant 0 : index
    %get3A_3 = arith.constant 0 : index
    %get3A_4 = vector.load %arg2[%get3A_2, %get3A_3] : memref<128x128xf32, #tpu.memory_space<vmem>>, vector<128x128xf32>
    %dot_general3A = arith.constant dense<0.000000e+00> : vector<1000x128xf32>
    %dot_general3A_5 = tpu.matmul %get3A_1, %get3A_4, %dot_general3A {dimension_numbers = #tpu.dot_dimension_numbers<[1], [1], [0], [0], [0, 0, 1, 0], [], []>, transpose_lhs_hint = false} : vector<1000x128xf32>, vector<128x128xf32>, vector<1000x128xf32> -> vector<1000x128xf32>
    %get3A_6 = arith.constant 0 : index
    %get3A_7 = arith.constant 0 : index
    %get3A_8 = vector.load %arg3[%get3A_6, %get3A_7] : memref<1x128xf32, #tpu.memory_space<vmem>>, vector<1x128xf32>
    %add3A = vector.broadcast %get3A_8 : vector<1x128xf32> to vector<1000x128xf32>
    %add3A_9 = arith.addf %dot_general3A_5, %add3A : vector<1000x128xf32>
    %swap3A = arith.constant 0 : index
    %swap3A_10 = arith.constant 0 : index
    %swap3A_11 = vector.load %arg4[%swap3A, %swap3A_10] : memref<1000x128xf32, #tpu.memory_space<vmem>>, vector<1000x128xf32>
    tpu.vector_store %arg4[%swap3A, %swap3A_10], %add3A_9 {strides = array<i32>} : memref<1000x128xf32, #tpu.memory_space<vmem>>, vector<1000x128xf32>,
    %max3A = arith.constant 0.000000e+00 : f32
    %max3A_12 = vector.broadcast %max3A : f32 to vector<1000x128xf32>
    %max3A_13 = arith.maximumf %add3A_9, %max3A_12 : vector<1000x128xf32>
    %swap3A_14 = arith.constant 0 : index
    %swap3A_15 = arith.constant 0 : index
    %swap3A_16 = vector.load %arg5[%swap3A_14, %swap3A_15] : memref<1000x128xf32, #tpu.memory_space<vmem>>, vector<1000x128xf32>
    tpu.vector_store %arg5[%swap3A_14, %swap3A_15], %max3A_13 {strides = array<i32>} : memref<1000x128xf32, #tpu.memory_space<vmem>>, vector<1000x128xf32>,
    return
  }
  func.func @transform_0(%arg0: i32) -> (i32, i32) {
    %c0_i32 = arith.constant 0 : i32
    %c0_i32_0 = arith.constant 0 : i32
    return %arg0, %c0_i32 : i32, i32
  }
  func.func @transform_1(%arg0: i32) -> (i32, i32) {
    %c0_i32 = arith.constant 0 : i32
    %c0_i32_0 = arith.constant 0 : i32
    %c0_i32_1 = arith.constant 0 : i32
    return %c0_i32, %c0_i32_0 : i32, i32
  }
  func.func @transform_2(%arg0: i32) -> (i32, i32) {
    %c0_i32 = arith.constant 0 : i32
    %c0_i32_0 = arith.constant 0 : i32
    %c0_i32_1 = arith.constant 0 : i32
    return %c0_i32, %c0_i32_0 : i32, i32
  }
  func.func @transform_3(%arg0: i32) -> (i32, i32) {
    %c0_i32 = arith.constant 0 : i32
    %c0_i32_0 = arith.constant 0 : i32
    return %arg0, %c0_i32 : i32, i32
  }
  func.func @transform_4(%arg0: i32) -> (i32, i32) {
    %c0_i32 = arith.constant 0 : i32
    %c0_i32_0 = arith.constant 0 : i32
    return %arg0, %c0_i32 : i32, i32
  }
}

module attributes {stable_mosaic.version = 14 : i64} {
  func.func @_tc_agg_body(%arg0: i32, %arg1: memref<1x6400xi32, #tpu.memory_space<smem>>, %arg2: memref<6400x128xf32, #tpu.memory_space<vmem>>, %arg3: memref<10000x128xf32, #tpu.memory_space<vmem>>, %arg4: memref<10000x16xf32, #tpu.memory_space<vmem>>, %arg5: memref<10000x128xf32, #tpu.memory_space<vmem>>, %arg6: memref<10000x16xf32, #tpu.memory_space<vmem>>, %arg7: memref<10000x128xf32, #tpu.memory_space<vmem>>, %arg8: memref<10000x128xf32, #tpu.memory_space<vmem>>) attributes {dimension_semantics = [#tpu.dimension_semantics<arbitrary>], iteration_bounds = array<i64: 50>, scalar_prefetch = 0 : i64, scratch_operands = 0 : i64, tpu.core_type = #tpu.core_type<tc>, window_params = [{transform_indices = @transform_0, window_bounds = array<i64: 1, 6400>}, {transform_indices = @transform_1, window_bounds = array<i64: 6400, 128>}, {pipeline_mode = #tpu.pipeline_mode<synchronous>, transform_indices = @transform_2, window_bounds = array<i64: 10000, 128>}, {pipeline_mode = #tpu.pipeline_mode<synchronous>, transform_indices = @transform_3, window_bounds = array<i64: 10000, 16>}, {pipeline_mode = #tpu.pipeline_mode<synchronous>, transform_indices = @transform_4, window_bounds = array<i64: 10000, 128>}, {pipeline_mode = #tpu.pipeline_mode<synchronous>, transform_indices = @transform_5, window_bounds = array<i64: 10000, 16>}, {pipeline_mode = #tpu.pipeline_mode<synchronous>, transform_indices = @transform_6, window_bounds = array<i64: 10000, 128>}, {pipeline_mode = #tpu.pipeline_mode<synchronous>, transform_indices = @transform_7, window_bounds = array<i64: 10000, 128>}]} {
    %eq3A = arith.constant 0 : i32
    %eq3A_0 = arith.cmpi eq, %arg0, %eq3A : i32
    %convert_element_type3A = arith.extui %eq3A_0 : i1 to i32
    %cond3A = arith.constant 0 : i32
    %cond3A_1 = arith.cmpi ne, %convert_element_type3A, %cond3A : i32
    scf.if %cond3A_1 {
      %broadcast_in_dim3A_12 = arith.constant 0.000000e+00 : f32
      %broadcast_in_dim3A_13 = vector.broadcast %broadcast_in_dim3A_12 : f32 to vector<10000x128xf32>
      %swap3A = arith.constant 0 : index
      %swap3A_14 = arith.constant 0 : index
      %swap3A_15 = vector.load %arg3[%swap3A, %swap3A_14] : memref<10000x128xf32, #tpu.memory_space<vmem>>, vector<10000x128xf32>
      tpu.vector_store %arg3[%swap3A, %swap3A_14], %broadcast_in_dim3A_13 {strides = array<i32>} : memref<10000x128xf32, #tpu.memory_space<vmem>>, vector<10000x128xf32>,
      %broadcast_in_dim3A_16 = arith.constant 0.000000e+00 : f32
      %broadcast_in_dim3A_17 = vector.broadcast %broadcast_in_dim3A_16 : f32 to vector<10000x16xf32>
      %swap3A_18 = arith.constant 0 : index
      %swap3A_19 = arith.constant 0 : index
      %swap3A_20 = vector.load %arg4[%swap3A_18, %swap3A_19] : memref<10000x16xf32, #tpu.memory_space<vmem>>, vector<10000x16xf32>
      tpu.vector_store %arg4[%swap3A_18, %swap3A_19], %broadcast_in_dim3A_17 {strides = array<i32>} : memref<10000x16xf32, #tpu.memory_space<vmem>>, vector<10000x16xf32>,
      %broadcast_in_dim3A_21 = arith.constant 0.000000e+00 : f32
      %broadcast_in_dim3A_22 = vector.broadcast %broadcast_in_dim3A_21 : f32 to vector<10000x128xf32>
      %swap3A_23 = arith.constant 0 : index
      %swap3A_24 = arith.constant 0 : index
      %swap3A_25 = vector.load %arg5[%swap3A_23, %swap3A_24] : memref<10000x128xf32, #tpu.memory_space<vmem>>, vector<10000x128xf32>
      tpu.vector_store %arg5[%swap3A_23, %swap3A_24], %broadcast_in_dim3A_22 {strides = array<i32>} : memref<10000x128xf32, #tpu.memory_space<vmem>>, vector<10000x128xf32>,
      %broadcast_in_dim3A_26 = arith.constant 0.000000e+00 : f32
      %broadcast_in_dim3A_27 = vector.broadcast %broadcast_in_dim3A_26 : f32 to vector<10000x16xf32>
      %swap3A_28 = arith.constant 0 : index
      %swap3A_29 = arith.constant 0 : index
      %swap3A_30 = vector.load %arg6[%swap3A_28, %swap3A_29] : memref<10000x16xf32, #tpu.memory_space<vmem>>, vector<10000x16xf32>
      tpu.vector_store %arg6[%swap3A_28, %swap3A_29], %broadcast_in_dim3A_27 {strides = array<i32>} : memref<10000x16xf32, #tpu.memory_space<vmem>>, vector<10000x16xf32>,
      %broadcast_in_dim3A_31 = arith.constant 0.000000e+00 : f32
      %broadcast_in_dim3A_32 = vector.broadcast %broadcast_in_dim3A_31 : f32 to vector<10000x128xf32>
      %swap3A_33 = arith.constant 0 : index
      %swap3A_34 = arith.constant 0 : index
      %swap3A_35 = vector.load %arg7[%swap3A_33, %swap3A_34] : memref<10000x128xf32, #tpu.memory_space<vmem>>, vector<10000x128xf32>
      tpu.vector_store %arg7[%swap3A_33, %swap3A_34], %broadcast_in_dim3A_32 {strides = array<i32>} : memref<10000x128xf32, #tpu.memory_space<vmem>>, vector<10000x128xf32>,
      %broadcast_in_dim3A_36 = arith.constant 0.000000e+00 : f32
      %broadcast_in_dim3A_37 = vector.broadcast %broadcast_in_dim3A_36 : f32 to vector<10000x128xf32>
      %swap3A_38 = arith.constant 0 : index
      %swap3A_39 = arith.constant 0 : index
      %swap3A_40 = vector.load %arg8[%swap3A_38, %swap3A_39] : memref<10000x128xf32, #tpu.memory_space<vmem>>, vector<10000x128xf32>
      tpu.vector_store %arg8[%swap3A_38, %swap3A_39], %broadcast_in_dim3A_37 {strides = array<i32>} : memref<10000x128xf32, #tpu.memory_space<vmem>>, vector<10000x128xf32>,
    } else {
    }
    %broadcast_in_dim3A = arith.constant 1.000000e+00 : f32
    %broadcast_in_dim3A_2 = vector.broadcast %broadcast_in_dim3A : f32 to vector<1x16xf32>
    %scan3A = arith.constant 0 : i32
    %scan3A_3 = arith.constant 1600 : i32
    %scan3A_4 = arith.addi %scan3A, %scan3A_3 : i32
    %scan3A_5 = arith.constant 2 : i32
    scf.for %scan3A_12 = %scan3A to %scan3A_4 step %scan3A_5  : i32 {
      %mul3A = arith.constant 4 : i32
      %mul3A_13 = arith.muli %mul3A, %scan3A_12 : i32
      %get3A = arith.constant 0 : index
      %get3A_14 = arith.index_cast %mul3A_13 : i32 to index
      %get3A_15 = memref.load %arg1[%get3A, %get3A_14] : memref<1x6400xi32, #tpu.memory_space<smem>>
      %add3A = arith.constant 1 : i32
      %add3A_16 = arith.addi %mul3A_13, %add3A : i32
      %get3A_17 = arith.constant 0 : index
      %get3A_18 = arith.index_cast %add3A_16 : i32 to index
      %get3A_19 = memref.load %arg1[%get3A_17, %get3A_18] : memref<1x6400xi32, #tpu.memory_space<smem>>
      %add3A_20 = arith.constant 2 : i32
      %add3A_21 = arith.addi %mul3A_13, %add3A_20 : i32
      %get3A_22 = arith.constant 0 : index
      %get3A_23 = arith.index_cast %add3A_21 : i32 to index
      %get3A_24 = memref.load %arg1[%get3A_22, %get3A_23] : memref<1x6400xi32, #tpu.memory_space<smem>>
      %add3A_25 = arith.constant 3 : i32
      %add3A_26 = arith.addi %mul3A_13, %add3A_25 : i32
      %get3A_27 = arith.constant 0 : index
      %get3A_28 = arith.index_cast %add3A_26 : i32 to index
      %get3A_29 = memref.load %arg1[%get3A_27, %get3A_28] : memref<1x6400xi32, #tpu.memory_space<smem>>
      %get3A_30 = arith.index_cast %get3A_15 : i32 to index
      %get3A_31 = arith.constant 0 : index
      %get3A_32 = vector.load %arg3[%get3A_30, %get3A_31] : memref<10000x128xf32, #tpu.memory_space<vmem>>, vector<1x128xf32>
      %get3A_33 = arith.index_cast %mul3A_13 : i32 to index
      %get3A_34 = arith.constant 0 : index
      %get3A_35 = vector.load %arg2[%get3A_33, %get3A_34] : memref<6400x128xf32, #tpu.memory_space<vmem>>, vector<1x128xf32>
      %add3A_36 = arith.addf %get3A_32, %get3A_35 : vector<1x128xf32>
      %swap3A = arith.index_cast %get3A_15 : i32 to index
      %swap3A_37 = arith.constant 0 : index
      %swap3A_38 = vector.load %arg3[%swap3A, %swap3A_37] : memref<10000x128xf32, #tpu.memory_space<vmem>>, vector<1x128xf32>
      tpu.vector_store %arg3[%swap3A, %swap3A_37], %add3A_36 {strides = array<i32>} : memref<10000x128xf32, #tpu.memory_space<vmem>>, vector<1x128xf32>,
      %get3A_39 = arith.index_cast %get3A_19 : i32 to index
      %get3A_40 = arith.constant 0 : index
      %get3A_41 = vector.load %arg5[%get3A_39, %get3A_40] : memref<10000x128xf32, #tpu.memory_space<vmem>>, vector<1x128xf32>
      %add3A_42 = arith.constant 1 : i32
      %add3A_43 = arith.addi %mul3A_13, %add3A_42 : i32
      %get3A_44 = arith.index_cast %add3A_43 : i32 to index
      %get3A_45 = arith.constant 0 : index
      %get3A_46 = vector.load %arg2[%get3A_44, %get3A_45] : memref<6400x128xf32, #tpu.memory_space<vmem>>, vector<1x128xf32>
      %add3A_47 = arith.addf %get3A_41, %get3A_46 : vector<1x128xf32>
      %swap3A_48 = arith.index_cast %get3A_19 : i32 to index
      %swap3A_49 = arith.constant 0 : index
      %swap3A_50 = vector.load %arg5[%swap3A_48, %swap3A_49] : memref<10000x128xf32, #tpu.memory_space<vmem>>, vector<1x128xf32>
      tpu.vector_store %arg5[%swap3A_48, %swap3A_49], %add3A_47 {strides = array<i32>} : memref<10000x128xf32, #tpu.memory_space<vmem>>, vector<1x128xf32>,
      %get3A_51 = arith.index_cast %get3A_24 : i32 to index
      %get3A_52 = arith.constant 0 : index
      %get3A_53 = vector.load %arg7[%get3A_51, %get3A_52] : memref<10000x128xf32, #tpu.memory_space<vmem>>, vector<1x128xf32>
      %add3A_54 = arith.constant 2 : i32
      %add3A_55 = arith.addi %mul3A_13, %add3A_54 : i32
      %get3A_56 = arith.index_cast %add3A_55 : i32 to index
      %get3A_57 = arith.constant 0 : index
      %get3A_58 = vector.load %arg2[%get3A_56, %get3A_57] : memref<6400x128xf32, #tpu.memory_space<vmem>>, vector<1x128xf32>
      %add3A_59 = arith.addf %get3A_53, %get3A_58 : vector<1x128xf32>
      %swap3A_60 = arith.index_cast %get3A_24 : i32 to index
      %swap3A_61 = arith.constant 0 : index
      %swap3A_62 = vector.load %arg7[%swap3A_60, %swap3A_61] : memref<10000x128xf32, #tpu.memory_space<vmem>>, vector<1x128xf32>
      tpu.vector_store %arg7[%swap3A_60, %swap3A_61], %add3A_59 {strides = array<i32>} : memref<10000x128xf32, #tpu.memory_space<vmem>>, vector<1x128xf32>,
      %get3A_63 = arith.index_cast %get3A_29 : i32 to index
      %get3A_64 = arith.constant 0 : index
      %get3A_65 = vector.load %arg8[%get3A_63, %get3A_64] : memref<10000x128xf32, #tpu.memory_space<vmem>>, vector<1x128xf32>
      %add3A_66 = arith.constant 3 : i32
      %add3A_67 = arith.addi %mul3A_13, %add3A_66 : i32
      %get3A_68 = arith.index_cast %add3A_67 : i32 to index
      %get3A_69 = arith.constant 0 : index
      %get3A_70 = vector.load %arg2[%get3A_68, %get3A_69] : memref<6400x128xf32, #tpu.memory_space<vmem>>, vector<1x128xf32>
      %add3A_71 = arith.addf %get3A_65, %get3A_70 : vector<1x128xf32>
      %swap3A_72 = arith.index_cast %get3A_29 : i32 to index
      %swap3A_73 = arith.constant 0 : index
      %swap3A_74 = vector.load %arg8[%swap3A_72, %swap3A_73] : memref<10000x128xf32, #tpu.memory_space<vmem>>, vector<1x128xf32>
      tpu.vector_store %arg8[%swap3A_72, %swap3A_73], %add3A_71 {strides = array<i32>} : memref<10000x128xf32, #tpu.memory_space<vmem>>, vector<1x128xf32>,
      %get3A_75 = arith.index_cast %get3A_15 : i32 to index
      %get3A_76 = arith.constant 0 : index
      %get3A_77 = vector.load %arg4[%get3A_75, %get3A_76] : memref<10000x16xf32, #tpu.memory_space<vmem>>, vector<1x16xf32>
      %add3A_78 = arith.addf %get3A_77, %broadcast_in_dim3A_2 : vector<1x16xf32>
      %swap3A_79 = arith.index_cast %get3A_15 : i32 to index
      %swap3A_80 = arith.constant 0 : index
      %swap3A_81 = vector.load %arg4[%swap3A_79, %swap3A_80] : memref<10000x16xf32, #tpu.memory_space<vmem>>, vector<1x16xf32>
      tpu.vector_store %arg4[%swap3A_79, %swap3A_80], %add3A_78 {strides = array<i32>} : memref<10000x16xf32, #tpu.memory_space<vmem>>, vector<1x16xf32>,
      %get3A_82 = arith.index_cast %get3A_19 : i32 to index
      %get3A_83 = arith.constant 0 : index
      %get3A_84 = vector.load %arg6[%get3A_82, %get3A_83] : memref<10000x16xf32, #tpu.memory_space<vmem>>, vector<1x16xf32>
      %add3A_85 = arith.addf %get3A_84, %broadcast_in_dim3A_2 : vector<1x16xf32>
      %swap3A_86 = arith.index_cast %get3A_19 : i32 to index
      %swap3A_87 = arith.constant 0 : index
      %swap3A_88 = vector.load %arg6[%swap3A_86, %swap3A_87] : memref<10000x16xf32, #tpu.memory_space<vmem>>, vector<1x16xf32>
      tpu.vector_store %arg6[%swap3A_86, %swap3A_87], %add3A_85 {strides = array<i32>} : memref<10000x16xf32, #tpu.memory_space<vmem>>, vector<1x16xf32>,
      %get3A_89 = arith.index_cast %get3A_24 : i32 to index
      %get3A_90 = arith.constant 0 : index
      %get3A_91 = vector.load %arg4[%get3A_89, %get3A_90] : memref<10000x16xf32, #tpu.memory_space<vmem>>, vector<1x16xf32>
      %add3A_92 = arith.addf %get3A_91, %broadcast_in_dim3A_2 : vector<1x16xf32>
      %swap3A_93 = arith.index_cast %get3A_24 : i32 to index
      %swap3A_94 = arith.constant 0 : index
      %swap3A_95 = vector.load %arg4[%swap3A_93, %swap3A_94] : memref<10000x16xf32, #tpu.memory_space<vmem>>, vector<1x16xf32>
      tpu.vector_store %arg4[%swap3A_93, %swap3A_94], %add3A_92 {strides = array<i32>} : memref<10000x16xf32, #tpu.memory_space<vmem>>, vector<1x16xf32>,
      %get3A_96 = arith.index_cast %get3A_29 : i32 to index
      %get3A_97 = arith.constant 0 : index
      %get3A_98 = vector.load %arg6[%get3A_96, %get3A_97] : memref<10000x16xf32, #tpu.memory_space<vmem>>, vector<1x16xf32>
      %add3A_99 = arith.addf %get3A_98, %broadcast_in_dim3A_2 : vector<1x16xf32>
      %swap3A_100 = arith.index_cast %get3A_29 : i32 to index
      %swap3A_101 = arith.constant 0 : index
      %swap3A_102 = vector.load %arg6[%swap3A_100, %swap3A_101] : memref<10000x16xf32, #tpu.memory_space<vmem>>, vector<1x16xf32>
      tpu.vector_store %arg6[%swap3A_100, %swap3A_101], %add3A_99 {strides = array<i32>} : memref<10000x16xf32, #tpu.memory_space<vmem>>, vector<1x16xf32>,
      %scan3A_103 = arith.constant 1 : i32
      %scan3A_104 = arith.addi %scan3A_12, %scan3A_103 : i32
      %mul3A_105 = arith.constant 4 : i32
      %mul3A_106 = arith.muli %mul3A_105, %scan3A_104 : i32
      %get3A_107 = arith.constant 0 : index
      %get3A_108 = arith.index_cast %mul3A_106 : i32 to index
      %get3A_109 = memref.load %arg1[%get3A_107, %get3A_108] : memref<1x6400xi32, #tpu.memory_space<smem>>
      %add3A_110 = arith.constant 1 : i32
      %add3A_111 = arith.addi %mul3A_106, %add3A_110 : i32
      %get3A_112 = arith.constant 0 : index
      %get3A_113 = arith.index_cast %add3A_111 : i32 to index
      %get3A_114 = memref.load %arg1[%get3A_112, %get3A_113] : memref<1x6400xi32, #tpu.memory_space<smem>>
      %add3A_115 = arith.constant 2 : i32
      %add3A_116 = arith.addi %mul3A_106, %add3A_115 : i32
      %get3A_117 = arith.constant 0 : index
      %get3A_118 = arith.index_cast %add3A_116 : i32 to index
      %get3A_119 = memref.load %arg1[%get3A_117, %get3A_118] : memref<1x6400xi32, #tpu.memory_space<smem>>
      %add3A_120 = arith.constant 3 : i32
      %add3A_121 = arith.addi %mul3A_106, %add3A_120 : i32
      %get3A_122 = arith.constant 0 : index
      %get3A_123 = arith.index_cast %add3A_121 : i32 to index
      %get3A_124 = memref.load %arg1[%get3A_122, %get3A_123] : memref<1x6400xi32, #tpu.memory_space<smem>>
      %get3A_125 = arith.index_cast %get3A_109 : i32 to index
      %get3A_126 = arith.constant 0 : index
      %get3A_127 = vector.load %arg3[%get3A_125, %get3A_126] : memref<10000x128xf32, #tpu.memory_space<vmem>>, vector<1x128xf32>
      %get3A_128 = arith.index_cast %mul3A_106 : i32 to index
      %get3A_129 = arith.constant 0 : index
      %get3A_130 = vector.load %arg2[%get3A_128, %get3A_129] : memref<6400x128xf32, #tpu.memory_space<vmem>>, vector<1x128xf32>
      %add3A_131 = arith.addf %get3A_127, %get3A_130 : vector<1x128xf32>
      %swap3A_132 = arith.index_cast %get3A_109 : i32 to index
      %swap3A_133 = arith.constant 0 : index
      %swap3A_134 = vector.load %arg3[%swap3A_132, %swap3A_133] : memref<10000x128xf32, #tpu.memory_space<vmem>>, vector<1x128xf32>
      tpu.vector_store %arg3[%swap3A_132, %swap3A_133], %add3A_131 {strides = array<i32>} : memref<10000x128xf32, #tpu.memory_space<vmem>>, vector<1x128xf32>,
      %get3A_135 = arith.index_cast %get3A_114 : i32 to index
      %get3A_136 = arith.constant 0 : index
      %get3A_137 = vector.load %arg5[%get3A_135, %get3A_136] : memref<10000x128xf32, #tpu.memory_space<vmem>>, vector<1x128xf32>
      %add3A_138 = arith.constant 1 : i32
      %add3A_139 = arith.addi %mul3A_106, %add3A_138 : i32
      %get3A_140 = arith.index_cast %add3A_139 : i32 to index
      %get3A_141 = arith.constant 0 : index
      %get3A_142 = vector.load %arg2[%get3A_140, %get3A_141] : memref<6400x128xf32, #tpu.memory_space<vmem>>, vector<1x128xf32>
      %add3A_143 = arith.addf %get3A_137, %get3A_142 : vector<1x128xf32>
      %swap3A_144 = arith.index_cast %get3A_114 : i32 to index
      %swap3A_145 = arith.constant 0 : index
      %swap3A_146 = vector.load %arg5[%swap3A_144, %swap3A_145] : memref<10000x128xf32, #tpu.memory_space<vmem>>, vector<1x128xf32>
      tpu.vector_store %arg5[%swap3A_144, %swap3A_145], %add3A_143 {strides = array<i32>} : memref<10000x128xf32, #tpu.memory_space<vmem>>, vector<1x128xf32>,
      %get3A_147 = arith.index_cast %get3A_119 : i32 to index
      %get3A_148 = arith.constant 0 : index
      %get3A_149 = vector.load %arg7[%get3A_147, %get3A_148] : memref<10000x128xf32, #tpu.memory_space<vmem>>, vector<1x128xf32>
      %add3A_150 = arith.constant 2 : i32
      %add3A_151 = arith.addi %mul3A_106, %add3A_150 : i32
      %get3A_152 = arith.index_cast %add3A_151 : i32 to index
      %get3A_153 = arith.constant 0 : index
      %get3A_154 = vector.load %arg2[%get3A_152, %get3A_153] : memref<6400x128xf32, #tpu.memory_space<vmem>>, vector<1x128xf32>
      %add3A_155 = arith.addf %get3A_149, %get3A_154 : vector<1x128xf32>
      %swap3A_156 = arith.index_cast %get3A_119 : i32 to index
      %swap3A_157 = arith.constant 0 : index
      %swap3A_158 = vector.load %arg7[%swap3A_156, %swap3A_157] : memref<10000x128xf32, #tpu.memory_space<vmem>>, vector<1x128xf32>
      tpu.vector_store %arg7[%swap3A_156, %swap3A_157], %add3A_155 {strides = array<i32>} : memref<10000x128xf32, #tpu.memory_space<vmem>>, vector<1x128xf32>,
      %get3A_159 = arith.index_cast %get3A_124 : i32 to index
      %get3A_160 = arith.constant 0 : index
      %get3A_161 = vector.load %arg8[%get3A_159, %get3A_160] : memref<10000x128xf32, #tpu.memory_space<vmem>>, vector<1x128xf32>
      %add3A_162 = arith.constant 3 : i32
      %add3A_163 = arith.addi %mul3A_106, %add3A_162 : i32
      %get3A_164 = arith.index_cast %add3A_163 : i32 to index
      %get3A_165 = arith.constant 0 : index
      %get3A_166 = vector.load %arg2[%get3A_164, %get3A_165] : memref<6400x128xf32, #tpu.memory_space<vmem>>, vector<1x128xf32>
      %add3A_167 = arith.addf %get3A_161, %get3A_166 : vector<1x128xf32>
      %swap3A_168 = arith.index_cast %get3A_124 : i32 to index
      %swap3A_169 = arith.constant 0 : index
      %swap3A_170 = vector.load %arg8[%swap3A_168, %swap3A_169] : memref<10000x128xf32, #tpu.memory_space<vmem>>, vector<1x128xf32>
      tpu.vector_store %arg8[%swap3A_168, %swap3A_169], %add3A_167 {strides = array<i32>} : memref<10000x128xf32, #tpu.memory_space<vmem>>, vector<1x128xf32>,
      %get3A_171 = arith.index_cast %get3A_109 : i32 to index
      %get3A_172 = arith.constant 0 : index
      %get3A_173 = vector.load %arg4[%get3A_171, %get3A_172] : memref<10000x16xf32, #tpu.memory_space<vmem>>, vector<1x16xf32>
      %add3A_174 = arith.addf %get3A_173, %broadcast_in_dim3A_2 : vector<1x16xf32>
      %swap3A_175 = arith.index_cast %get3A_109 : i32 to index
      %swap3A_176 = arith.constant 0 : index
      %swap3A_177 = vector.load %arg4[%swap3A_175, %swap3A_176] : memref<10000x16xf32, #tpu.memory_space<vmem>>, vector<1x16xf32>
      tpu.vector_store %arg4[%swap3A_175, %swap3A_176], %add3A_174 {strides = array<i32>} : memref<10000x16xf32, #tpu.memory_space<vmem>>, vector<1x16xf32>,
      %get3A_178 = arith.index_cast %get3A_114 : i32 to index
      %get3A_179 = arith.constant 0 : index
      %get3A_180 = vector.load %arg6[%get3A_178, %get3A_179] : memref<10000x16xf32, #tpu.memory_space<vmem>>, vector<1x16xf32>
      %add3A_181 = arith.addf %get3A_180, %broadcast_in_dim3A_2 : vector<1x16xf32>
      %swap3A_182 = arith.index_cast %get3A_114 : i32 to index
      %swap3A_183 = arith.constant 0 : index
      %swap3A_184 = vector.load %arg6[%swap3A_182, %swap3A_183] : memref<10000x16xf32, #tpu.memory_space<vmem>>, vector<1x16xf32>
      tpu.vector_store %arg6[%swap3A_182, %swap3A_183], %add3A_181 {strides = array<i32>} : memref<10000x16xf32, #tpu.memory_space<vmem>>, vector<1x16xf32>,
      %get3A_185 = arith.index_cast %get3A_119 : i32 to index
      %get3A_186 = arith.constant 0 : index
      %get3A_187 = vector.load %arg4[%get3A_185, %get3A_186] : memref<10000x16xf32, #tpu.memory_space<vmem>>, vector<1x16xf32>
      %add3A_188 = arith.addf %get3A_187, %broadcast_in_dim3A_2 : vector<1x16xf32>
      %swap3A_189 = arith.index_cast %get3A_119 : i32 to index
      %swap3A_190 = arith.constant 0 : index
      %swap3A_191 = vector.load %arg4[%swap3A_189, %swap3A_190] : memref<10000x16xf32, #tpu.memory_space<vmem>>, vector<1x16xf32>
      tpu.vector_store %arg4[%swap3A_189, %swap3A_190], %add3A_188 {strides = array<i32>} : memref<10000x16xf32, #tpu.memory_space<vmem>>, vector<1x16xf32>,
      %get3A_192 = arith.index_cast %get3A_124 : i32 to index
      %get3A_193 = arith.constant 0 : index
      %get3A_194 = vector.load %arg6[%get3A_192, %get3A_193] : memref<10000x16xf32, #tpu.memory_space<vmem>>, vector<1x16xf32>
      %add3A_195 = arith.addf %get3A_194, %broadcast_in_dim3A_2 : vector<1x16xf32>
      %swap3A_196 = arith.index_cast %get3A_124 : i32 to index
      %swap3A_197 = arith.constant 0 : index
      %swap3A_198 = vector.load %arg6[%swap3A_196, %swap3A_197] : memref<10000x16xf32, #tpu.memory_space<vmem>>, vector<1x16xf32>
      tpu.vector_store %arg6[%swap3A_196, %swap3A_197], %add3A_195 {strides = array<i32>} : memref<10000x16xf32, #tpu.memory_space<vmem>>, vector<1x16xf32>,
    }
    %scan3A_6 = arith.constant 1600 : i32
    %eq3A_7 = arith.constant 49 : i32
    %eq3A_8 = arith.cmpi eq, %arg0, %eq3A_7 : i32
    %convert_element_type3A_9 = arith.extui %eq3A_8 : i1 to i32
    %cond3A_10 = arith.constant 0 : i32
    %cond3A_11 = arith.cmpi ne, %convert_element_type3A_9, %cond3A_10 : i32
    scf.if %cond3A_11 {
      %get3A = arith.constant 0 : index
      %get3A_12 = arith.constant 0 : index
      %get3A_13 = vector.load %arg3[%get3A, %get3A_12] : memref<10000x128xf32, #tpu.memory_space<vmem>>, vector<10000x128xf32>
      %get3A_14 = arith.constant 0 : index
      %get3A_15 = arith.constant 0 : index
      %get3A_16 = vector.load %arg5[%get3A_14, %get3A_15] : memref<10000x128xf32, #tpu.memory_space<vmem>>, vector<10000x128xf32>
      %get3A_17 = arith.constant 0 : index
      %get3A_18 = arith.constant 0 : index
      %get3A_19 = vector.load %arg7[%get3A_17, %get3A_18] : memref<10000x128xf32, #tpu.memory_space<vmem>>, vector<10000x128xf32>
      %add3A = arith.addf %get3A_16, %get3A_19 : vector<10000x128xf32>
      %get3A_20 = arith.constant 0 : index
      %get3A_21 = arith.constant 0 : index
      %get3A_22 = vector.load %arg8[%get3A_20, %get3A_21] : memref<10000x128xf32, #tpu.memory_space<vmem>>, vector<10000x128xf32>
      %add3A_23 = arith.addf %add3A, %get3A_22 : vector<10000x128xf32>
      %add3A_24 = arith.addf %get3A_13, %add3A_23 : vector<10000x128xf32>
      %swap3A = arith.constant 0 : index
      %swap3A_25 = arith.constant 0 : index
      %swap3A_26 = vector.load %arg3[%swap3A, %swap3A_25] : memref<10000x128xf32, #tpu.memory_space<vmem>>, vector<10000x128xf32>
      tpu.vector_store %arg3[%swap3A, %swap3A_25], %add3A_24 {strides = array<i32>} : memref<10000x128xf32, #tpu.memory_space<vmem>>, vector<10000x128xf32>,
      %get3A_27 = arith.constant 0 : index
      %get3A_28 = arith.constant 0 : index
      %get3A_29 = vector.load %arg4[%get3A_27, %get3A_28] : memref<10000x16xf32, #tpu.memory_space<vmem>>, vector<10000x16xf32>
      %get3A_30 = arith.constant 0 : index
      %get3A_31 = arith.constant 0 : index
      %get3A_32 = vector.load %arg6[%get3A_30, %get3A_31] : memref<10000x16xf32, #tpu.memory_space<vmem>>, vector<10000x16xf32>
      %add3A_33 = arith.addf %get3A_29, %get3A_32 : vector<10000x16xf32>
      %swap3A_34 = arith.constant 0 : index
      %swap3A_35 = arith.constant 0 : index
      %swap3A_36 = vector.load %arg4[%swap3A_34, %swap3A_35] : memref<10000x16xf32, #tpu.memory_space<vmem>>, vector<10000x16xf32>
      tpu.vector_store %arg4[%swap3A_34, %swap3A_35], %add3A_33 {strides = array<i32>} : memref<10000x16xf32, #tpu.memory_space<vmem>>, vector<10000x16xf32>,
    } else {
    }
    return
  }
  func.func @transform_0(%arg0: i32) -> (i32, i32) {
    %c0_i32 = arith.constant 0 : i32
    %c0_i32_0 = arith.constant 0 : i32
    return %c0_i32, %arg0 : i32, i32
  }
  func.func @transform_1(%arg0: i32) -> (i32, i32) {
    %c0_i32 = arith.constant 0 : i32
    %c0_i32_0 = arith.constant 0 : i32
    return %arg0, %c0_i32 : i32, i32
  }
  func.func @transform_2(%arg0: i32) -> (i32, i32) {
    %c0_i32 = arith.constant 0 : i32
    %c0_i32_0 = arith.constant 0 : i32
    %c0_i32_1 = arith.constant 0 : i32
    return %c0_i32, %c0_i32_0 : i32, i32
  }
  func.func @transform_3(%arg0: i32) -> (i32, i32) {
    %c0_i32 = arith.constant 0 : i32
    %c0_i32_0 = arith.constant 0 : i32
    %c0_i32_1 = arith.constant 0 : i32
    return %c0_i32, %c0_i32_0 : i32, i32
  }
  func.func @transform_4(%arg0: i32) -> (i32, i32) {
    %c0_i32 = arith.constant 0 : i32
    %c0_i32_0 = arith.constant 0 : i32
    %c0_i32_1 = arith.constant 0 : i32
    return %c0_i32, %c0_i32_0 : i32, i32
  }
  func.func @transform_5(%arg0: i32) -> (i32, i32) {
    %c0_i32 = arith.constant 0 : i32
    %c0_i32_0 = arith.constant 0 : i32
    %c0_i32_1 = arith.constant 0 : i32
    return %c0_i32, %c0_i32_0 : i32, i32
  }
  func.func @transform_6(%arg0: i32) -> (i32, i32) {
    %c0_i32 = arith.constant 0 : i32
    %c0_i32_0 = arith.constant 0 : i32
    %c0_i32_1 = arith.constant 0 : i32
    return %c0_i32, %c0_i32_0 : i32, i32
  }
  func.func @transform_7(%arg0: i32) -> (i32, i32) {
    %c0_i32 = arith.constant 0 : i32
    %c0_i32_0 = arith.constant 0 : i32
    %c0_i32_1 = arith.constant 0 : i32
    return %c0_i32, %c0_i32_0 : i32, i32
  }
}

module attributes {stable_mosaic.version = 14 : i64} {
  func.func @_sage_body(%arg0: i32, %arg1: memref<1000x128xf32, #tpu.memory_space<vmem>>, %arg2: memref<1000x16xf32, #tpu.memory_space<vmem>>, %arg3: memref<1000x128xf32, #tpu.memory_space<vmem>>, %arg4: memref<1000x128xf32, #tpu.memory_space<vmem>>, %arg5: memref<128x128xf32, #tpu.memory_space<vmem>>, %arg6: memref<128x128xf32, #tpu.memory_space<vmem>>, %arg7: memref<1x128xf32, #tpu.memory_space<vmem>>, %arg8: memref<128x128xf32, #tpu.memory_space<vmem>>, %arg9: memref<1000x128xf32, #tpu.memory_space<vmem>>, %arg10: memref<1000x128xf32, #tpu.memory_space<vmem>>, %arg11: memref<1000x128xf32, #tpu.memory_space<vmem>>) attributes {dimension_semantics = [#tpu.dimension_semantics<arbitrary>], iteration_bounds = array<i64: 10>, scalar_prefetch = 0 : i64, scratch_operands = 0 : i64, tpu.core_type = #tpu.core_type<tc>, window_params = [{transform_indices = @transform_0, window_bounds = array<i64: 1000, 128>}, {transform_indices = @transform_1, window_bounds = array<i64: 1000, 16>}, {transform_indices = @transform_2, window_bounds = array<i64: 1000, 128>}, {transform_indices = @transform_3, window_bounds = array<i64: 1000, 128>}, {pipeline_mode = #tpu.pipeline_mode<synchronous>, transform_indices = @transform_4, window_bounds = array<i64: 128, 128>}, {pipeline_mode = #tpu.pipeline_mode<synchronous>, transform_indices = @transform_5, window_bounds = array<i64: 128, 128>}, {pipeline_mode = #tpu.pipeline_mode<synchronous>, transform_indices = @transform_6, window_bounds = array<i64: 1, 128>}, {pipeline_mode = #tpu.pipeline_mode<synchronous>, transform_indices = @transform_7, window_bounds = array<i64: 128, 128>}, {transform_indices = @transform_8, window_bounds = array<i64: 1000, 128>}, {transform_indices = @transform_9, window_bounds = array<i64: 1000, 128>}, {transform_indices = @transform_10, window_bounds = array<i64: 1000, 128>}]} {
    %get3A = arith.constant 0 : index
    %get3A_0 = arith.constant 0 : index
    %get3A_1 = vector.load %arg2[%get3A, %get3A_0] : memref<1000x16xf32, #tpu.memory_space<vmem>>, vector<1000x1xf32>
    %max3A = arith.constant 1.000000e+00 : f32
    %max3A_2 = vector.broadcast %max3A : f32 to vector<1000x1xf32>
    %max3A_3 = arith.maximumf %get3A_1, %max3A_2 : vector<1000x1xf32>
    %div3A = arith.constant 1.000000e+00 : f32
    %div3A_4 = vector.broadcast %div3A : f32 to vector<1000x1xf32>
    %div3A_5 = arith.divf %div3A_4, %max3A_3 : vector<1000x1xf32>
    %get3A_6 = arith.constant 0 : index
    %get3A_7 = arith.constant 0 : index
    %get3A_8 = vector.load %arg1[%get3A_6, %get3A_7] : memref<1000x128xf32, #tpu.memory_space<vmem>>, vector<1000x128xf32>
    %mul3A = vector.broadcast %div3A_5 : vector<1000x1xf32> to vector<1000x128xf32>
    %mul3A_9 = arith.mulf %get3A_8, %mul3A : vector<1000x128xf32>
    %get3A_10 = arith.constant 0 : index
    %get3A_11 = arith.constant 0 : index
    %get3A_12 = vector.load %arg5[%get3A_10, %get3A_11] : memref<128x128xf32, #tpu.memory_space<vmem>>, vector<128x128xf32>
    %dot_general3A = arith.constant dense<0.000000e+00> : vector<1000x128xf32>
    %dot_general3A_13 = tpu.matmul %mul3A_9, %get3A_12, %dot_general3A {dimension_numbers = #tpu.dot_dimension_numbers<[1], [1], [0], [0], [0, 0, 1, 0], [], []>, transpose_lhs_hint = false} : vector<1000x128xf32>, vector<128x128xf32>, vector<1000x128xf32> -> vector<1000x128xf32>
    %get3A_14 = arith.constant 0 : index
    %get3A_15 = arith.constant 0 : index
    %get3A_16 = vector.load %arg3[%get3A_14, %get3A_15] : memref<1000x128xf32, #tpu.memory_space<vmem>>, vector<1000x128xf32>
    %get3A_17 = arith.constant 0 : index
    %get3A_18 = arith.constant 0 : index
    %get3A_19 = vector.load %arg6[%get3A_17, %get3A_18] : memref<128x128xf32, #tpu.memory_space<vmem>>, vector<128x128xf32>
    %dot_general3A_20 = arith.constant dense<0.000000e+00> : vector<1000x128xf32>
    %dot_general3A_21 = tpu.matmul %get3A_16, %get3A_19, %dot_general3A_20 {dimension_numbers = #tpu.dot_dimension_numbers<[1], [1], [0], [0], [0, 0, 1, 0], [], []>, transpose_lhs_hint = false} : vector<1000x128xf32>, vector<128x128xf32>, vector<1000x128xf32> -> vector<1000x128xf32>
    %add3A = arith.addf %dot_general3A_13, %dot_general3A_21 : vector<1000x128xf32>
    %get3A_22 = arith.constant 0 : index
    %get3A_23 = arith.constant 0 : index
    %get3A_24 = vector.load %arg7[%get3A_22, %get3A_23] : memref<1x128xf32, #tpu.memory_space<vmem>>, vector<1x128xf32>
    %add3A_25 = vector.broadcast %get3A_24 : vector<1x128xf32> to vector<1000x128xf32>
    %add3A_26 = arith.addf %add3A, %add3A_25 : vector<1000x128xf32>
    %swap3A = arith.constant 0 : index
    %swap3A_27 = arith.constant 0 : index
    %swap3A_28 = vector.load %arg9[%swap3A, %swap3A_27] : memref<1000x128xf32, #tpu.memory_space<vmem>>, vector<1000x128xf32>
    tpu.vector_store %arg9[%swap3A, %swap3A_27], %add3A_26 {strides = array<i32>} : memref<1000x128xf32, #tpu.memory_space<vmem>>, vector<1000x128xf32>,
    %max3A_29 = arith.constant 0.000000e+00 : f32
    %max3A_30 = vector.broadcast %max3A_29 : f32 to vector<1000x128xf32>
    %max3A_31 = arith.maximumf %add3A_26, %max3A_30 : vector<1000x128xf32>
    %get3A_32 = arith.constant 0 : index
    %get3A_33 = arith.constant 0 : index
    %get3A_34 = vector.load %arg4[%get3A_32, %get3A_33] : memref<1000x128xf32, #tpu.memory_space<vmem>>, vector<1000x128xf32>
    %mul3A_35 = arith.constant 2.000000e-01 : f32
    %mul3A_36 = vector.broadcast %mul3A_35 : f32 to vector<1000x128xf32>
    %mul3A_37 = arith.mulf %mul3A_36, %get3A_34 : vector<1000x128xf32>
    %add3A_38 = arith.addf %max3A_31, %mul3A_37 : vector<1000x128xf32>
    %swap3A_39 = arith.constant 0 : index
    %swap3A_40 = arith.constant 0 : index
    %swap3A_41 = vector.load %arg10[%swap3A_39, %swap3A_40] : memref<1000x128xf32, #tpu.memory_space<vmem>>, vector<1000x128xf32>
    tpu.vector_store %arg10[%swap3A_39, %swap3A_40], %add3A_38 {strides = array<i32>} : memref<1000x128xf32, #tpu.memory_space<vmem>>, vector<1000x128xf32>,
    %get3A_42 = arith.constant 0 : index
    %get3A_43 = arith.constant 0 : index
    %get3A_44 = vector.load %arg8[%get3A_42, %get3A_43] : memref<128x128xf32, #tpu.memory_space<vmem>>, vector<128x128xf32>
    %dot_general3A_45 = arith.constant dense<0.000000e+00> : vector<1000x128xf32>
    %dot_general3A_46 = tpu.matmul %add3A_38, %get3A_44, %dot_general3A_45 {dimension_numbers = #tpu.dot_dimension_numbers<[1], [1], [0], [0], [0, 0, 1, 0], [], []>, transpose_lhs_hint = false} : vector<1000x128xf32>, vector<128x128xf32>, vector<1000x128xf32> -> vector<1000x128xf32>
    %swap3A_47 = arith.constant 0 : index
    %swap3A_48 = arith.constant 0 : index
    %swap3A_49 = vector.load %arg11[%swap3A_47, %swap3A_48] : memref<1000x128xf32, #tpu.memory_space<vmem>>, vector<1000x128xf32>
    tpu.vector_store %arg11[%swap3A_47, %swap3A_48], %dot_general3A_46 {strides = array<i32>} : memref<1000x128xf32, #tpu.memory_space<vmem>>, vector<1000x128xf32>,
    return
  }
  func.func @transform_0(%arg0: i32) -> (i32, i32) {
    %c0_i32 = arith.constant 0 : i32
    %c0_i32_0 = arith.constant 0 : i32
    return %arg0, %c0_i32 : i32, i32
  }
  func.func @transform_1(%arg0: i32) -> (i32, i32) {
    %c0_i32 = arith.constant 0 : i32
    %c0_i32_0 = arith.constant 0 : i32
    return %arg0, %c0_i32 : i32, i32
  }
  func.func @transform_2(%arg0: i32) -> (i32, i32) {
    %c0_i32 = arith.constant 0 : i32
    %c0_i32_0 = arith.constant 0 : i32
    return %arg0, %c0_i32 : i32, i32
  }
  func.func @transform_3(%arg0: i32) -> (i32, i32) {
    %c0_i32 = arith.constant 0 : i32
    %c0_i32_0 = arith.constant 0 : i32
    return %arg0, %c0_i32 : i32, i32
  }
  func.func @transform_4(%arg0: i32) -> (i32, i32) {
    %c0_i32 = arith.constant 0 : i32
    %c0_i32_0 = arith.constant 0 : i32
    %c0_i32_1 = arith.constant 0 : i32
    return %c0_i32, %c0_i32_0 : i32, i32
  }
  func.func @transform_5(%arg0: i32) -> (i32, i32) {
    %c0_i32 = arith.constant 0 : i32
    %c0_i32_0 = arith.constant 0 : i32
    %c0_i32_1 = arith.constant 0 : i32
    return %c0_i32, %c0_i32_0 : i32, i32
  }
  func.func @transform_6(%arg0: i32) -> (i32, i32) {
    %c0_i32 = arith.constant 0 : i32
    %c0_i32_0 = arith.constant 0 : i32
    %c0_i32_1 = arith.constant 0 : i32
    return %c0_i32, %c0_i32_0 : i32, i32
  }
  func.func @transform_7(%arg0: i32) -> (i32, i32) {
    %c0_i32 = arith.constant 0 : i32
    %c0_i32_0 = arith.constant 0 : i32
    %c0_i32_1 = arith.constant 0 : i32
    return %c0_i32, %c0_i32_0 : i32, i32
  }
  func.func @transform_8(%arg0: i32) -> (i32, i32) {
    %c0_i32 = arith.constant 0 : i32
    %c0_i32_0 = arith.constant 0 : i32
    return %arg0, %c0_i32 : i32, i32
  }
  func.func @transform_9(%arg0: i32) -> (i32, i32) {
    %c0_i32 = arith.constant 0 : i32
    %c0_i32_0 = arith.constant 0 : i32
    return %arg0, %c0_i32 : i32, i32
  }
  func.func @transform_10(%arg0: i32) -> (i32, i32) {
    %c0_i32 = arith.constant 0 : i32
    %c0_i32_0 = arith.constant 0 : i32
    return %arg0, %c0_i32 : i32, i32
  }
}

module attributes {stable_mosaic.version = 14 : i64} {
  func.func @_tc_agg_nc_body(%arg0: i32, %arg1: memref<1x6400xi32, #tpu.memory_space<smem>>, %arg2: memref<6400x128xf32, #tpu.memory_space<vmem>>, %arg3: memref<10000x128xf32, #tpu.memory_space<vmem>>, %arg4: memref<10000x128xf32, #tpu.memory_space<vmem>>, %arg5: memref<10000x128xf32, #tpu.memory_space<vmem>>, %arg6: memref<10000x128xf32, #tpu.memory_space<vmem>>) attributes {dimension_semantics = [#tpu.dimension_semantics<arbitrary>], iteration_bounds = array<i64: 50>, scalar_prefetch = 0 : i64, scratch_operands = 0 : i64, tpu.core_type = #tpu.core_type<tc>, window_params = [{transform_indices = @transform_0, window_bounds = array<i64: 1, 6400>}, {transform_indices = @transform_1, window_bounds = array<i64: 6400, 128>}, {pipeline_mode = #tpu.pipeline_mode<synchronous>, transform_indices = @transform_2, window_bounds = array<i64: 10000, 128>}, {pipeline_mode = #tpu.pipeline_mode<synchronous>, transform_indices = @transform_3, window_bounds = array<i64: 10000, 128>}, {pipeline_mode = #tpu.pipeline_mode<synchronous>, transform_indices = @transform_4, window_bounds = array<i64: 10000, 128>}, {pipeline_mode = #tpu.pipeline_mode<synchronous>, transform_indices = @transform_5, window_bounds = array<i64: 10000, 128>}]} {
    %eq3A = arith.constant 0 : i32
    %eq3A_0 = arith.cmpi eq, %arg0, %eq3A : i32
    %convert_element_type3A = arith.extui %eq3A_0 : i1 to i32
    %cond3A = arith.constant 0 : i32
    %cond3A_1 = arith.cmpi ne, %convert_element_type3A, %cond3A : i32
    scf.if %cond3A_1 {
      %broadcast_in_dim3A = arith.constant 0.000000e+00 : f32
      %broadcast_in_dim3A_11 = vector.broadcast %broadcast_in_dim3A : f32 to vector<10000x128xf32>
      %swap3A = arith.constant 0 : index
      %swap3A_12 = arith.constant 0 : index
      %swap3A_13 = vector.load %arg3[%swap3A, %swap3A_12] : memref<10000x128xf32, #tpu.memory_space<vmem>>, vector<10000x128xf32>
      tpu.vector_store %arg3[%swap3A, %swap3A_12], %broadcast_in_dim3A_11 {strides = array<i32>} : memref<10000x128xf32, #tpu.memory_space<vmem>>, vector<10000x128xf32>,
      %broadcast_in_dim3A_14 = arith.constant 0.000000e+00 : f32
      %broadcast_in_dim3A_15 = vector.broadcast %broadcast_in_dim3A_14 : f32 to vector<10000x128xf32>
      %swap3A_16 = arith.constant 0 : index
      %swap3A_17 = arith.constant 0 : index
      %swap3A_18 = vector.load %arg4[%swap3A_16, %swap3A_17] : memref<10000x128xf32, #tpu.memory_space<vmem>>, vector<10000x128xf32>
      tpu.vector_store %arg4[%swap3A_16, %swap3A_17], %broadcast_in_dim3A_15 {strides = array<i32>} : memref<10000x128xf32, #tpu.memory_space<vmem>>, vector<10000x128xf32>,
      %broadcast_in_dim3A_19 = arith.constant 0.000000e+00 : f32
      %broadcast_in_dim3A_20 = vector.broadcast %broadcast_in_dim3A_19 : f32 to vector<10000x128xf32>
      %swap3A_21 = arith.constant 0 : index
      %swap3A_22 = arith.constant 0 : index
      %swap3A_23 = vector.load %arg5[%swap3A_21, %swap3A_22] : memref<10000x128xf32, #tpu.memory_space<vmem>>, vector<10000x128xf32>
      tpu.vector_store %arg5[%swap3A_21, %swap3A_22], %broadcast_in_dim3A_20 {strides = array<i32>} : memref<10000x128xf32, #tpu.memory_space<vmem>>, vector<10000x128xf32>,
      %broadcast_in_dim3A_24 = arith.constant 0.000000e+00 : f32
      %broadcast_in_dim3A_25 = vector.broadcast %broadcast_in_dim3A_24 : f32 to vector<10000x128xf32>
      %swap3A_26 = arith.constant 0 : index
      %swap3A_27 = arith.constant 0 : index
      %swap3A_28 = vector.load %arg6[%swap3A_26, %swap3A_27] : memref<10000x128xf32, #tpu.memory_space<vmem>>, vector<10000x128xf32>
      tpu.vector_store %arg6[%swap3A_26, %swap3A_27], %broadcast_in_dim3A_25 {strides = array<i32>} : memref<10000x128xf32, #tpu.memory_space<vmem>>, vector<10000x128xf32>,
    } else {
    }
    %scan3A = arith.constant 0 : i32
    %scan3A_2 = arith.constant 1600 : i32
    %scan3A_3 = arith.addi %scan3A, %scan3A_2 : i32
    %scan3A_4 = arith.constant 2 : i32
    scf.for %scan3A_11 = %scan3A to %scan3A_3 step %scan3A_4  : i32 {
      %mul3A = arith.constant 4 : i32
      %mul3A_12 = arith.muli %mul3A, %scan3A_11 : i32
      %get3A = arith.constant 0 : index
      %get3A_13 = arith.index_cast %mul3A_12 : i32 to index
      %get3A_14 = memref.load %arg1[%get3A, %get3A_13] : memref<1x6400xi32, #tpu.memory_space<smem>>
      %add3A = arith.constant 1 : i32
      %add3A_15 = arith.addi %mul3A_12, %add3A : i32
      %get3A_16 = arith.constant 0 : index
      %get3A_17 = arith.index_cast %add3A_15 : i32 to index
      %get3A_18 = memref.load %arg1[%get3A_16, %get3A_17] : memref<1x6400xi32, #tpu.memory_space<smem>>
      %add3A_19 = arith.constant 2 : i32
      %add3A_20 = arith.addi %mul3A_12, %add3A_19 : i32
      %get3A_21 = arith.constant 0 : index
      %get3A_22 = arith.index_cast %add3A_20 : i32 to index
      %get3A_23 = memref.load %arg1[%get3A_21, %get3A_22] : memref<1x6400xi32, #tpu.memory_space<smem>>
      %add3A_24 = arith.constant 3 : i32
      %add3A_25 = arith.addi %mul3A_12, %add3A_24 : i32
      %get3A_26 = arith.constant 0 : index
      %get3A_27 = arith.index_cast %add3A_25 : i32 to index
      %get3A_28 = memref.load %arg1[%get3A_26, %get3A_27] : memref<1x6400xi32, #tpu.memory_space<smem>>
      %get3A_29 = arith.index_cast %get3A_14 : i32 to index
      %get3A_30 = arith.constant 0 : index
      %get3A_31 = vector.load %arg3[%get3A_29, %get3A_30] : memref<10000x128xf32, #tpu.memory_space<vmem>>, vector<1x128xf32>
      %get3A_32 = arith.index_cast %mul3A_12 : i32 to index
      %get3A_33 = arith.constant 0 : index
      %get3A_34 = vector.load %arg2[%get3A_32, %get3A_33] : memref<6400x128xf32, #tpu.memory_space<vmem>>, vector<1x128xf32>
      %add3A_35 = arith.addf %get3A_31, %get3A_34 : vector<1x128xf32>
      %swap3A = arith.index_cast %get3A_14 : i32 to index
      %swap3A_36 = arith.constant 0 : index
      %swap3A_37 = vector.load %arg3[%swap3A, %swap3A_36] : memref<10000x128xf32, #tpu.memory_space<vmem>>, vector<1x128xf32>
      tpu.vector_store %arg3[%swap3A, %swap3A_36], %add3A_35 {strides = array<i32>} : memref<10000x128xf32, #tpu.memory_space<vmem>>, vector<1x128xf32>,
      %get3A_38 = arith.index_cast %get3A_18 : i32 to index
      %get3A_39 = arith.constant 0 : index
      %get3A_40 = vector.load %arg4[%get3A_38, %get3A_39] : memref<10000x128xf32, #tpu.memory_space<vmem>>, vector<1x128xf32>
      %add3A_41 = arith.constant 1 : i32
      %add3A_42 = arith.addi %mul3A_12, %add3A_41 : i32
      %get3A_43 = arith.index_cast %add3A_42 : i32 to index
      %get3A_44 = arith.constant 0 : index
      %get3A_45 = vector.load %arg2[%get3A_43, %get3A_44] : memref<6400x128xf32, #tpu.memory_space<vmem>>, vector<1x128xf32>
      %add3A_46 = arith.addf %get3A_40, %get3A_45 : vector<1x128xf32>
      %swap3A_47 = arith.index_cast %get3A_18 : i32 to index
      %swap3A_48 = arith.constant 0 : index
      %swap3A_49 = vector.load %arg4[%swap3A_47, %swap3A_48] : memref<10000x128xf32, #tpu.memory_space<vmem>>, vector<1x128xf32>
      tpu.vector_store %arg4[%swap3A_47, %swap3A_48], %add3A_46 {strides = array<i32>} : memref<10000x128xf32, #tpu.memory_space<vmem>>, vector<1x128xf32>,
      %get3A_50 = arith.index_cast %get3A_23 : i32 to index
      %get3A_51 = arith.constant 0 : index
      %get3A_52 = vector.load %arg5[%get3A_50, %get3A_51] : memref<10000x128xf32, #tpu.memory_space<vmem>>, vector<1x128xf32>
      %add3A_53 = arith.constant 2 : i32
      %add3A_54 = arith.addi %mul3A_12, %add3A_53 : i32
      %get3A_55 = arith.index_cast %add3A_54 : i32 to index
      %get3A_56 = arith.constant 0 : index
      %get3A_57 = vector.load %arg2[%get3A_55, %get3A_56] : memref<6400x128xf32, #tpu.memory_space<vmem>>, vector<1x128xf32>
      %add3A_58 = arith.addf %get3A_52, %get3A_57 : vector<1x128xf32>
      %swap3A_59 = arith.index_cast %get3A_23 : i32 to index
      %swap3A_60 = arith.constant 0 : index
      %swap3A_61 = vector.load %arg5[%swap3A_59, %swap3A_60] : memref<10000x128xf32, #tpu.memory_space<vmem>>, vector<1x128xf32>
      tpu.vector_store %arg5[%swap3A_59, %swap3A_60], %add3A_58 {strides = array<i32>} : memref<10000x128xf32, #tpu.memory_space<vmem>>, vector<1x128xf32>,
      %get3A_62 = arith.index_cast %get3A_28 : i32 to index
      %get3A_63 = arith.constant 0 : index
      %get3A_64 = vector.load %arg6[%get3A_62, %get3A_63] : memref<10000x128xf32, #tpu.memory_space<vmem>>, vector<1x128xf32>
      %add3A_65 = arith.constant 3 : i32
      %add3A_66 = arith.addi %mul3A_12, %add3A_65 : i32
      %get3A_67 = arith.index_cast %add3A_66 : i32 to index
      %get3A_68 = arith.constant 0 : index
      %get3A_69 = vector.load %arg2[%get3A_67, %get3A_68] : memref<6400x128xf32, #tpu.memory_space<vmem>>, vector<1x128xf32>
      %add3A_70 = arith.addf %get3A_64, %get3A_69 : vector<1x128xf32>
      %swap3A_71 = arith.index_cast %get3A_28 : i32 to index
      %swap3A_72 = arith.constant 0 : index
      %swap3A_73 = vector.load %arg6[%swap3A_71, %swap3A_72] : memref<10000x128xf32, #tpu.memory_space<vmem>>, vector<1x128xf32>
      tpu.vector_store %arg6[%swap3A_71, %swap3A_72], %add3A_70 {strides = array<i32>} : memref<10000x128xf32, #tpu.memory_space<vmem>>, vector<1x128xf32>,
      %scan3A_74 = arith.constant 1 : i32
      %scan3A_75 = arith.addi %scan3A_11, %scan3A_74 : i32
      %mul3A_76 = arith.constant 4 : i32
      %mul3A_77 = arith.muli %mul3A_76, %scan3A_75 : i32
      %get3A_78 = arith.constant 0 : index
      %get3A_79 = arith.index_cast %mul3A_77 : i32 to index
      %get3A_80 = memref.load %arg1[%get3A_78, %get3A_79] : memref<1x6400xi32, #tpu.memory_space<smem>>
      %add3A_81 = arith.constant 1 : i32
      %add3A_82 = arith.addi %mul3A_77, %add3A_81 : i32
      %get3A_83 = arith.constant 0 : index
      %get3A_84 = arith.index_cast %add3A_82 : i32 to index
      %get3A_85 = memref.load %arg1[%get3A_83, %get3A_84] : memref<1x6400xi32, #tpu.memory_space<smem>>
      %add3A_86 = arith.constant 2 : i32
      %add3A_87 = arith.addi %mul3A_77, %add3A_86 : i32
      %get3A_88 = arith.constant 0 : index
      %get3A_89 = arith.index_cast %add3A_87 : i32 to index
      %get3A_90 = memref.load %arg1[%get3A_88, %get3A_89] : memref<1x6400xi32, #tpu.memory_space<smem>>
      %add3A_91 = arith.constant 3 : i32
      %add3A_92 = arith.addi %mul3A_77, %add3A_91 : i32
      %get3A_93 = arith.constant 0 : index
      %get3A_94 = arith.index_cast %add3A_92 : i32 to index
      %get3A_95 = memref.load %arg1[%get3A_93, %get3A_94] : memref<1x6400xi32, #tpu.memory_space<smem>>
      %get3A_96 = arith.index_cast %get3A_80 : i32 to index
      %get3A_97 = arith.constant 0 : index
      %get3A_98 = vector.load %arg3[%get3A_96, %get3A_97] : memref<10000x128xf32, #tpu.memory_space<vmem>>, vector<1x128xf32>
      %get3A_99 = arith.index_cast %mul3A_77 : i32 to index
      %get3A_100 = arith.constant 0 : index
      %get3A_101 = vector.load %arg2[%get3A_99, %get3A_100] : memref<6400x128xf32, #tpu.memory_space<vmem>>, vector<1x128xf32>
      %add3A_102 = arith.addf %get3A_98, %get3A_101 : vector<1x128xf32>
      %swap3A_103 = arith.index_cast %get3A_80 : i32 to index
      %swap3A_104 = arith.constant 0 : index
      %swap3A_105 = vector.load %arg3[%swap3A_103, %swap3A_104] : memref<10000x128xf32, #tpu.memory_space<vmem>>, vector<1x128xf32>
      tpu.vector_store %arg3[%swap3A_103, %swap3A_104], %add3A_102 {strides = array<i32>} : memref<10000x128xf32, #tpu.memory_space<vmem>>, vector<1x128xf32>,
      %get3A_106 = arith.index_cast %get3A_85 : i32 to index
      %get3A_107 = arith.constant 0 : index
      %get3A_108 = vector.load %arg4[%get3A_106, %get3A_107] : memref<10000x128xf32, #tpu.memory_space<vmem>>, vector<1x128xf32>
      %add3A_109 = arith.constant 1 : i32
      %add3A_110 = arith.addi %mul3A_77, %add3A_109 : i32
      %get3A_111 = arith.index_cast %add3A_110 : i32 to index
      %get3A_112 = arith.constant 0 : index
      %get3A_113 = vector.load %arg2[%get3A_111, %get3A_112] : memref<6400x128xf32, #tpu.memory_space<vmem>>, vector<1x128xf32>
      %add3A_114 = arith.addf %get3A_108, %get3A_113 : vector<1x128xf32>
      %swap3A_115 = arith.index_cast %get3A_85 : i32 to index
      %swap3A_116 = arith.constant 0 : index
      %swap3A_117 = vector.load %arg4[%swap3A_115, %swap3A_116] : memref<10000x128xf32, #tpu.memory_space<vmem>>, vector<1x128xf32>
      tpu.vector_store %arg4[%swap3A_115, %swap3A_116], %add3A_114 {strides = array<i32>} : memref<10000x128xf32, #tpu.memory_space<vmem>>, vector<1x128xf32>,
      %get3A_118 = arith.index_cast %get3A_90 : i32 to index
      %get3A_119 = arith.constant 0 : index
      %get3A_120 = vector.load %arg5[%get3A_118, %get3A_119] : memref<10000x128xf32, #tpu.memory_space<vmem>>, vector<1x128xf32>
      %add3A_121 = arith.constant 2 : i32
      %add3A_122 = arith.addi %mul3A_77, %add3A_121 : i32
      %get3A_123 = arith.index_cast %add3A_122 : i32 to index
      %get3A_124 = arith.constant 0 : index
      %get3A_125 = vector.load %arg2[%get3A_123, %get3A_124] : memref<6400x128xf32, #tpu.memory_space<vmem>>, vector<1x128xf32>
      %add3A_126 = arith.addf %get3A_120, %get3A_125 : vector<1x128xf32>
      %swap3A_127 = arith.index_cast %get3A_90 : i32 to index
      %swap3A_128 = arith.constant 0 : index
      %swap3A_129 = vector.load %arg5[%swap3A_127, %swap3A_128] : memref<10000x128xf32, #tpu.memory_space<vmem>>, vector<1x128xf32>
      tpu.vector_store %arg5[%swap3A_127, %swap3A_128], %add3A_126 {strides = array<i32>} : memref<10000x128xf32, #tpu.memory_space<vmem>>, vector<1x128xf32>,
      %get3A_130 = arith.index_cast %get3A_95 : i32 to index
      %get3A_131 = arith.constant 0 : index
      %get3A_132 = vector.load %arg6[%get3A_130, %get3A_131] : memref<10000x128xf32, #tpu.memory_space<vmem>>, vector<1x128xf32>
      %add3A_133 = arith.constant 3 : i32
      %add3A_134 = arith.addi %mul3A_77, %add3A_133 : i32
      %get3A_135 = arith.index_cast %add3A_134 : i32 to index
      %get3A_136 = arith.constant 0 : index
      %get3A_137 = vector.load %arg2[%get3A_135, %get3A_136] : memref<6400x128xf32, #tpu.memory_space<vmem>>, vector<1x128xf32>
      %add3A_138 = arith.addf %get3A_132, %get3A_137 : vector<1x128xf32>
      %swap3A_139 = arith.index_cast %get3A_95 : i32 to index
      %swap3A_140 = arith.constant 0 : index
      %swap3A_141 = vector.load %arg6[%swap3A_139, %swap3A_140] : memref<10000x128xf32, #tpu.memory_space<vmem>>, vector<1x128xf32>
      tpu.vector_store %arg6[%swap3A_139, %swap3A_140], %add3A_138 {strides = array<i32>} : memref<10000x128xf32, #tpu.memory_space<vmem>>, vector<1x128xf32>,
    }
    %scan3A_5 = arith.constant 1600 : i32
    %eq3A_6 = arith.constant 49 : i32
    %eq3A_7 = arith.cmpi eq, %arg0, %eq3A_6 : i32
    %convert_element_type3A_8 = arith.extui %eq3A_7 : i1 to i32
    %cond3A_9 = arith.constant 0 : i32
    %cond3A_10 = arith.cmpi ne, %convert_element_type3A_8, %cond3A_9 : i32
    scf.if %cond3A_10 {
      %get3A = arith.constant 0 : index
      %get3A_11 = arith.constant 0 : index
      %get3A_12 = vector.load %arg3[%get3A, %get3A_11] : memref<10000x128xf32, #tpu.memory_space<vmem>>, vector<10000x128xf32>
      %get3A_13 = arith.constant 0 : index
      %get3A_14 = arith.constant 0 : index
      %get3A_15 = vector.load %arg4[%get3A_13, %get3A_14] : memref<10000x128xf32, #tpu.memory_space<vmem>>, vector<10000x128xf32>
      %get3A_16 = arith.constant 0 : index
      %get3A_17 = arith.constant 0 : index
      %get3A_18 = vector.load %arg5[%get3A_16, %get3A_17] : memref<10000x128xf32, #tpu.memory_space<vmem>>, vector<10000x128xf32>
      %add3A = arith.addf %get3A_15, %get3A_18 : vector<10000x128xf32>
      %get3A_19 = arith.constant 0 : index
      %get3A_20 = arith.constant 0 : index
      %get3A_21 = vector.load %arg6[%get3A_19, %get3A_20] : memref<10000x128xf32, #tpu.memory_space<vmem>>, vector<10000x128xf32>
      %add3A_22 = arith.addf %add3A, %get3A_21 : vector<10000x128xf32>
      %add3A_23 = arith.addf %get3A_12, %add3A_22 : vector<10000x128xf32>
      %swap3A = arith.constant 0 : index
      %swap3A_24 = arith.constant 0 : index
      %swap3A_25 = vector.load %arg3[%swap3A, %swap3A_24] : memref<10000x128xf32, #tpu.memory_space<vmem>>, vector<10000x128xf32>
      tpu.vector_store %arg3[%swap3A, %swap3A_24], %add3A_23 {strides = array<i32>} : memref<10000x128xf32, #tpu.memory_space<vmem>>, vector<10000x128xf32>,
    } else {
    }
    return
  }
  func.func @transform_0(%arg0: i32) -> (i32, i32) {
    %c0_i32 = arith.constant 0 : i32
    %c0_i32_0 = arith.constant 0 : i32
    return %c0_i32, %arg0 : i32, i32
  }
  func.func @transform_1(%arg0: i32) -> (i32, i32) {
    %c0_i32 = arith.constant 0 : i32
    %c0_i32_0 = arith.constant 0 : i32
    return %arg0, %c0_i32 : i32, i32
  }
  func.func @transform_2(%arg0: i32) -> (i32, i32) {
    %c0_i32 = arith.constant 0 : i32
    %c0_i32_0 = arith.constant 0 : i32
    %c0_i32_1 = arith.constant 0 : i32
    return %c0_i32, %c0_i32_0 : i32, i32
  }
  func.func @transform_3(%arg0: i32) -> (i32, i32) {
    %c0_i32 = arith.constant 0 : i32
    %c0_i32_0 = arith.constant 0 : i32
    %c0_i32_1 = arith.constant 0 : i32
    return %c0_i32, %c0_i32_0 : i32, i32
  }
  func.func @transform_4(%arg0: i32) -> (i32, i32) {
    %c0_i32 = arith.constant 0 : i32
    %c0_i32_0 = arith.constant 0 : i32
    %c0_i32_1 = arith.constant 0 : i32
    return %c0_i32, %c0_i32_0 : i32, i32
  }
  func.func @transform_5(%arg0: i32) -> (i32, i32) {
    %c0_i32 = arith.constant 0 : i32
    %c0_i32_0 = arith.constant 0 : i32
    %c0_i32_1 = arith.constant 0 : i32
    return %c0_i32, %c0_i32_0 : i32, i32
  }
}

module attributes {stable_mosaic.version = 14 : i64} {
  func.func @_sage_body(%arg0: i32, %arg1: memref<1000x128xf32, #tpu.memory_space<vmem>>, %arg2: memref<1000x16xf32, #tpu.memory_space<vmem>>, %arg3: memref<1000x128xf32, #tpu.memory_space<vmem>>, %arg4: memref<1000x128xf32, #tpu.memory_space<vmem>>, %arg5: memref<128x128xf32, #tpu.memory_space<vmem>>, %arg6: memref<128x128xf32, #tpu.memory_space<vmem>>, %arg7: memref<1x128xf32, #tpu.memory_space<vmem>>, %arg8: memref<128x128xf32, #tpu.memory_space<vmem>>, %arg9: memref<1000x128xf32, #tpu.memory_space<vmem>>, %arg10: memref<1000x128xf32, #tpu.memory_space<vmem>>, %arg11: memref<1000x128xf32, #tpu.memory_space<vmem>>) attributes {dimension_semantics = [#tpu.dimension_semantics<arbitrary>], iteration_bounds = array<i64: 10>, scalar_prefetch = 0 : i64, scratch_operands = 0 : i64, tpu.core_type = #tpu.core_type<tc>, window_params = [{transform_indices = @transform_0, window_bounds = array<i64: 1000, 128>}, {transform_indices = @transform_1, window_bounds = array<i64: 1000, 16>}, {transform_indices = @transform_2, window_bounds = array<i64: 1000, 128>}, {transform_indices = @transform_3, window_bounds = array<i64: 1000, 128>}, {pipeline_mode = #tpu.pipeline_mode<synchronous>, transform_indices = @transform_4, window_bounds = array<i64: 128, 128>}, {pipeline_mode = #tpu.pipeline_mode<synchronous>, transform_indices = @transform_5, window_bounds = array<i64: 128, 128>}, {pipeline_mode = #tpu.pipeline_mode<synchronous>, transform_indices = @transform_6, window_bounds = array<i64: 1, 128>}, {pipeline_mode = #tpu.pipeline_mode<synchronous>, transform_indices = @transform_7, window_bounds = array<i64: 128, 128>}, {transform_indices = @transform_8, window_bounds = array<i64: 1000, 128>}, {transform_indices = @transform_9, window_bounds = array<i64: 1000, 128>}, {transform_indices = @transform_10, window_bounds = array<i64: 1000, 128>}]} {
    %get3A = arith.constant 0 : index
    %get3A_0 = arith.constant 0 : index
    %get3A_1 = vector.load %arg2[%get3A, %get3A_0] : memref<1000x16xf32, #tpu.memory_space<vmem>>, vector<1000x1xf32>
    %max3A = arith.constant 1.000000e+00 : f32
    %max3A_2 = vector.broadcast %max3A : f32 to vector<1000x1xf32>
    %max3A_3 = arith.maximumf %get3A_1, %max3A_2 : vector<1000x1xf32>
    %div3A = arith.constant 1.000000e+00 : f32
    %div3A_4 = vector.broadcast %div3A : f32 to vector<1000x1xf32>
    %div3A_5 = arith.divf %div3A_4, %max3A_3 : vector<1000x1xf32>
    %get3A_6 = arith.constant 0 : index
    %get3A_7 = arith.constant 0 : index
    %get3A_8 = vector.load %arg1[%get3A_6, %get3A_7] : memref<1000x128xf32, #tpu.memory_space<vmem>>, vector<1000x128xf32>
    %mul3A = vector.broadcast %div3A_5 : vector<1000x1xf32> to vector<1000x128xf32>
    %mul3A_9 = arith.mulf %get3A_8, %mul3A : vector<1000x128xf32>
    %get3A_10 = arith.constant 0 : index
    %get3A_11 = arith.constant 0 : index
    %get3A_12 = vector.load %arg5[%get3A_10, %get3A_11] : memref<128x128xf32, #tpu.memory_space<vmem>>, vector<128x128xf32>
    %dot_general3A = arith.constant dense<0.000000e+00> : vector<1000x128xf32>
    %dot_general3A_13 = tpu.matmul %mul3A_9, %get3A_12, %dot_general3A {dimension_numbers = #tpu.dot_dimension_numbers<[1], [1], [0], [0], [0, 0, 1, 0], [], []>, transpose_lhs_hint = false} : vector<1000x128xf32>, vector<128x128xf32>, vector<1000x128xf32> -> vector<1000x128xf32>
    %get3A_14 = arith.constant 0 : index
    %get3A_15 = arith.constant 0 : index
    %get3A_16 = vector.load %arg3[%get3A_14, %get3A_15] : memref<1000x128xf32, #tpu.memory_space<vmem>>, vector<1000x128xf32>
    %get3A_17 = arith.constant 0 : index
    %get3A_18 = arith.constant 0 : index
    %get3A_19 = vector.load %arg6[%get3A_17, %get3A_18] : memref<128x128xf32, #tpu.memory_space<vmem>>, vector<128x128xf32>
    %dot_general3A_20 = arith.constant dense<0.000000e+00> : vector<1000x128xf32>
    %dot_general3A_21 = tpu.matmul %get3A_16, %get3A_19, %dot_general3A_20 {dimension_numbers = #tpu.dot_dimension_numbers<[1], [1], [0], [0], [0, 0, 1, 0], [], []>, transpose_lhs_hint = false} : vector<1000x128xf32>, vector<128x128xf32>, vector<1000x128xf32> -> vector<1000x128xf32>
    %add3A = arith.addf %dot_general3A_13, %dot_general3A_21 : vector<1000x128xf32>
    %get3A_22 = arith.constant 0 : index
    %get3A_23 = arith.constant 0 : index
    %get3A_24 = vector.load %arg7[%get3A_22, %get3A_23] : memref<1x128xf32, #tpu.memory_space<vmem>>, vector<1x128xf32>
    %add3A_25 = vector.broadcast %get3A_24 : vector<1x128xf32> to vector<1000x128xf32>
    %add3A_26 = arith.addf %add3A, %add3A_25 : vector<1000x128xf32>
    %swap3A = arith.constant 0 : index
    %swap3A_27 = arith.constant 0 : index
    %swap3A_28 = vector.load %arg9[%swap3A, %swap3A_27] : memref<1000x128xf32, #tpu.memory_space<vmem>>, vector<1000x128xf32>
    tpu.vector_store %arg9[%swap3A, %swap3A_27], %add3A_26 {strides = array<i32>} : memref<1000x128xf32, #tpu.memory_space<vmem>>, vector<1000x128xf32>,
    %max3A_29 = arith.constant 0.000000e+00 : f32
    %max3A_30 = vector.broadcast %max3A_29 : f32 to vector<1000x128xf32>
    %max3A_31 = arith.maximumf %add3A_26, %max3A_30 : vector<1000x128xf32>
    %get3A_32 = arith.constant 0 : index
    %get3A_33 = arith.constant 0 : index
    %get3A_34 = vector.load %arg4[%get3A_32, %get3A_33] : memref<1000x128xf32, #tpu.memory_space<vmem>>, vector<1000x128xf32>
    %mul3A_35 = arith.constant 2.000000e-01 : f32
    %mul3A_36 = vector.broadcast %mul3A_35 : f32 to vector<1000x128xf32>
    %mul3A_37 = arith.mulf %mul3A_36, %get3A_34 : vector<1000x128xf32>
    %add3A_38 = arith.addf %max3A_31, %mul3A_37 : vector<1000x128xf32>
    %swap3A_39 = arith.constant 0 : index
    %swap3A_40 = arith.constant 0 : index
    %swap3A_41 = vector.load %arg10[%swap3A_39, %swap3A_40] : memref<1000x128xf32, #tpu.memory_space<vmem>>, vector<1000x128xf32>
    tpu.vector_store %arg10[%swap3A_39, %swap3A_40], %add3A_38 {strides = array<i32>} : memref<1000x128xf32, #tpu.memory_space<vmem>>, vector<1000x128xf32>,
    %get3A_42 = arith.constant 0 : index
    %get3A_43 = arith.constant 0 : index
    %get3A_44 = vector.load %arg8[%get3A_42, %get3A_43] : memref<128x128xf32, #tpu.memory_space<vmem>>, vector<128x128xf32>
    %dot_general3A_45 = arith.constant dense<0.000000e+00> : vector<1000x128xf32>
    %dot_general3A_46 = tpu.matmul %add3A_38, %get3A_44, %dot_general3A_45 {dimension_numbers = #tpu.dot_dimension_numbers<[1], [1], [0], [0], [0, 0, 1, 0], [], []>, transpose_lhs_hint = false} : vector<1000x128xf32>, vector<128x128xf32>, vector<1000x128xf32> -> vector<1000x128xf32>
    %swap3A_47 = arith.constant 0 : index
    %swap3A_48 = arith.constant 0 : index
    %swap3A_49 = vector.load %arg11[%swap3A_47, %swap3A_48] : memref<1000x128xf32, #tpu.memory_space<vmem>>, vector<1000x128xf32>
    tpu.vector_store %arg11[%swap3A_47, %swap3A_48], %dot_general3A_46 {strides = array<i32>} : memref<1000x128xf32, #tpu.memory_space<vmem>>, vector<1000x128xf32>,
    return
  }
  func.func @transform_0(%arg0: i32) -> (i32, i32) {
    %c0_i32 = arith.constant 0 : i32
    %c0_i32_0 = arith.constant 0 : i32
    return %arg0, %c0_i32 : i32, i32
  }
  func.func @transform_1(%arg0: i32) -> (i32, i32) {
    %c0_i32 = arith.constant 0 : i32
    %c0_i32_0 = arith.constant 0 : i32
    return %arg0, %c0_i32 : i32, i32
  }
  func.func @transform_2(%arg0: i32) -> (i32, i32) {
    %c0_i32 = arith.constant 0 : i32
    %c0_i32_0 = arith.constant 0 : i32
    return %arg0, %c0_i32 : i32, i32
  }
  func.func @transform_3(%arg0: i32) -> (i32, i32) {
    %c0_i32 = arith.constant 0 : i32
    %c0_i32_0 = arith.constant 0 : i32
    return %arg0, %c0_i32 : i32, i32
  }
  func.func @transform_4(%arg0: i32) -> (i32, i32) {
    %c0_i32 = arith.constant 0 : i32
    %c0_i32_0 = arith.constant 0 : i32
    %c0_i32_1 = arith.constant 0 : i32
    return %c0_i32, %c0_i32_0 : i32, i32
  }
  func.func @transform_5(%arg0: i32) -> (i32, i32) {
    %c0_i32 = arith.constant 0 : i32
    %c0_i32_0 = arith.constant 0 : i32
    %c0_i32_1 = arith.constant 0 : i32
    return %c0_i32, %c0_i32_0 : i32, i32
  }
  func.func @transform_6(%arg0: i32) -> (i32, i32) {
    %c0_i32 = arith.constant 0 : i32
    %c0_i32_0 = arith.constant 0 : i32
    %c0_i32_1 = arith.constant 0 : i32
    return %c0_i32, %c0_i32_0 : i32, i32
  }
  func.func @transform_7(%arg0: i32) -> (i32, i32) {
    %c0_i32 = arith.constant 0 : i32
    %c0_i32_0 = arith.constant 0 : i32
    %c0_i32_1 = arith.constant 0 : i32
    return %c0_i32, %c0_i32_0 : i32, i32
  }
  func.func @transform_8(%arg0: i32) -> (i32, i32) {
    %c0_i32 = arith.constant 0 : i32
    %c0_i32_0 = arith.constant 0 : i32
    return %arg0, %c0_i32 : i32, i32
  }
  func.func @transform_9(%arg0: i32) -> (i32, i32) {
    %c0_i32 = arith.constant 0 : i32
    %c0_i32_0 = arith.constant 0 : i32
    return %arg0, %c0_i32 : i32, i32
  }
  func.func @transform_10(%arg0: i32) -> (i32, i32) {
    %c0_i32 = arith.constant 0 : i32
    %c0_i32_0 = arith.constant 0 : i32
    return %arg0, %c0_i32 : i32, i32
  }
}

module attributes {stable_mosaic.version = 14 : i64} {
  func.func @_final_body(%arg0: i32, %arg1: memref<1000x128xf32, #tpu.memory_space<vmem>>, %arg2: memref<1000x64xf32, #tpu.memory_space<vmem>>) attributes {dimension_semantics = [#tpu.dimension_semantics<arbitrary>], iteration_bounds = array<i64: 10>, scalar_prefetch = 0 : i64, scratch_operands = 0 : i64, tpu.core_type = #tpu.core_type<tc>, window_params = [{transform_indices = @transform_0, window_bounds = array<i64: 1000, 128>}, {transform_indices = @transform_1, window_bounds = array<i64: 1000, 64>}]} {
    %get3A = arith.constant 0 : index
    %get3A_0 = arith.constant 0 : index
    %get3A_1 = vector.load %arg1[%get3A, %get3A_0] : memref<1000x128xf32, #tpu.memory_space<vmem>>, vector<1000x64xf32>
    %reduce_max3A = arith.constant dense<0xFF800000> : vector<1000xf32>
    %reduce_max3A_2 = vector.multi_reduction <maximumf>, %get3A_1, %reduce_max3A [1] : vector<1000x64xf32> to vector<1000xf32>
    %broadcast_in_dim3A = vector.shape_cast %reduce_max3A_2 : vector<1000xf32> to vector<1000x1xf32>
    %sub3A = vector.broadcast %broadcast_in_dim3A : vector<1000x1xf32> to vector<1000x64xf32>
    %sub3A_3 = arith.subf %get3A_1, %sub3A : vector<1000x64xf32>
    %exp3A = math.exp %sub3A_3 : vector<1000x64xf32>
    %reduce_sum3A = arith.constant dense<0.000000e+00> : vector<1000xf32>
    %reduce_sum3A_4 = vector.multi_reduction <add>, %exp3A, %reduce_sum3A [1] : vector<1000x64xf32> to vector<1000xf32>
    %broadcast_in_dim3A_5 = vector.shape_cast %reduce_sum3A_4 : vector<1000xf32> to vector<1000x1xf32>
    %log3A = math.log %broadcast_in_dim3A_5 : vector<1000x1xf32>
    %sub3A_6 = vector.broadcast %log3A : vector<1000x1xf32> to vector<1000x64xf32>
    %sub3A_7 = arith.subf %sub3A_3, %sub3A_6 : vector<1000x64xf32>
    %swap3A = arith.constant 0 : index
    %swap3A_8 = arith.constant 0 : index
    %swap3A_9 = vector.load %arg2[%swap3A, %swap3A_8] : memref<1000x64xf32, #tpu.memory_space<vmem>>, vector<1000x64xf32>
    tpu.vector_store %arg2[%swap3A, %swap3A_8], %sub3A_7 {strides = array<i32>} : memref<1000x64xf32, #tpu.memory_space<vmem>>, vector<1000x64xf32>,
    return
  }
  func.func @transform_0(%arg0: i32) -> (i32, i32) {
    %c0_i32 = arith.constant 0 : i32
    %c0_i32_0 = arith.constant 0 : i32
    return %arg0, %c0_i32 : i32, i32
  }
  func.func @transform_1(%arg0: i32) -> (i32, i32) {
    %c0_i32 = arith.constant 0 : i32
    %c0_i32_0 = arith.constant 0 : i32
    return %arg0, %c0_i32 : i32, i32
  }
}

</mosaic_0001>

<sc_bundles>
// kernel: kernel.13.cloned.1.call-start
scs
__scs_entry_jumppad:
0x0: {  	(pc) =	sbr.rel $0x88, $3  }
0x1: {  	(tag) =	ssettag $0x0;
	lr =	simm.s32 $0x1  }
0x2: {  	[smem:$0x3F94] =	sst lr;
	_ =	strace $0xD0000000  }
0x3: {  	_ = 	snop  }
0x4: {  	_ = 	snop  }
0x5: {  	_ = 	snop  }
0x6: {  	_ = 	snop  }
0x7: {  	_ = 	snop  }
__scs_overlays_trampoline_lowered:
0x8: {  	[smem:$0x3FA3] =	sst s0  }
0x9: {  	[smem:$0x3FA4] =	sst s1  }
0xa: {  	[smem:$0x3FA5] =	sst s2  }
0xb: {  	[smem:$0x3FA6] =	sst s3  }
0xc: {  	[smem:$0x3FA7] =	sst s4  }
0xd: {  	[smem:$0x3FA8] =	sst s5  }
0xe: {  	[smem:$0x3FA9] =	sst s6  }
0xf: {  	[smem:$0x3FAA] =	sst s7  }
0x10: {  	[smem:$0x3FAB] =	sst s8  }
0x11: {  	[smem:$0x3FAC] =	sst s9;
	s0 =	simm.s32 @!p0 $0x0  }
0x12: {  	s1 =	sld [smem:$0x3F92];
	s0 =	simm.s32 @p0 $0x1  }
0x13: {  	[smem:$0x3FAD] =	sst s0;
	s0 =	simm.s32 @!p1 $0x0  }
0x14: {  	s2 =	sld [smem:$0x3F91];
	s0 =	simm.s32 @p1 $0x1  }
0x15: {  	[smem:$0x3FAE] =	sst s0;
	s0 =	simm.s32 @!p2 $0x0  }
0x16: {  	s3 =	sld [smem:$0x3FDB];
	s0 =	simm.s32 @p2 $0x1  }
0x17: {  	s4 =	simm.s32 $0x1BF5;
	[smem:$0x3FB0] =	sst s0  }
0x18: {  	s0 =	sld [smem:$0x3F93];
	_ =	swait.ge [sflag:s4], $0x0  }
0x19: {  	s7 =	sld [smem:$0x3F94]  }
0x1a: {  	s8 =	sadd.s32 $0xFFFFE003, lr  }
0x1b: {  	s9 =	sadd.s32 $0xFFFFFEF7, lr;
	s5 =	simm.s32 $0xFFFFFFFF;
	p2 =	slt.u32 s8, $0xFFFFF086  }
0x1c: {  	p1 =	slt.u32 s9, $0xF7A;
	s5 =	simm.s32 @!p2 $0x0  }
0x1d: {  	s5 =	simm.s32 @p1 $0x1;
	p0 =	seq.s32 s7, s2  }
0x1e: {  	s7 =	smul.u32 @!p0 $0xF7A, s2;
	p2 =	seq.s32 @!p0 s5, $0x0  }
0x1f: {  	s9 =	smul.u32 $0xF7A, s1;
	s8 =	simm.s32 @!p0 $0x1BF5;
	p2 =	por !p2, p0  }
0x20: {  	[sflag:s8] =	ssyncset.s32 @!p0 $0xFFFFF086;
	s6 =	sadd.s32 @!p0 s3, s7;
	s7 =	simm.s32 @!p0 $0x108  }
0x21: {  	s3 =	sadd.s32 s3, s9;
	s6 =	sadd.s32 @!p0 $0x88, s6;
	s7 =	simm.s32 @p2 $0x1082  }
0x22: {  	[simem:s7], [sflag:s8] =	dma.local @!p0 [hbm:s6], $0xF7A  }
0x23: {  	s9 =	sor.u32 $0xD0000000, s2;
	s6 =	simm.s32 $0x108;
	_ =	swait.ge @!p0 [sflag:s8], $0x0  }
0x24: {  	s3 =	sadd.s32 $0x88, s3;
	s6 =	simm.s32 @!p1 $0x1082;
	[sflag:s4] =	ssyncset.s32 $0xFFFFF086  }
0x25: {  	[simem:s6], [sflag:s4] =	dma.local [hbm:s3], $0xF7A  }
0x26: {  	[smem:$0x3F94] =	sst s1;
	(tag) =	ssettag s2;
	_ =	strace s9  }
0x27: {  	s1 =	sld [smem:$0x3FA4]  }
0x28: {  	s2 =	sld [smem:$0x3FA5]  }
0x29: {  	s4 =	sld [smem:$0x3FA7]  }
0x2a: {  	p0 =	seq.s32 s5, $0x0;
	s5 =	sld [smem:$0x3FA8]  }
0x2b: {  	s6 =	sld [smem:$0x3FA9]  }
0x2c: {  	s7 =	sld [smem:$0x3FAA]  }
0x2d: {  	s3 =	simm.s32 $0x108;
	s8 =	sld [smem:$0x3FAB]  }
0x2e: {  	s3 =	simm.s32 @!p0 $0x1082;
	s9 =	sld [smem:$0x3FAC]  }
0x2f: {  	lr =	sadd.s32 s0, s3;
	s0 =	sld [smem:$0x3FA3]  }
0x30: {  	s3 =	sld [smem:$0x3FA6]  }
0x31: {  	[smem:$0x3FAF] =	sst s10  }
0x32: {  	s10 =	sld [smem:$0x3FAD];
	_ =	sdelay $0x3  }
0x33: {  	p0 =	seq.s32 s10, $0x1;
	s10 =	sld [smem:$0x3FAF];
	_ =	sdelay $0x3  }
0x34: {  	[smem:$0x3FAF] =	sst s10  }
0x35: {  	s10 =	sld [smem:$0x3FAE];
	_ =	sdelay $0x3  }
0x36: {  	p1 =	seq.s32 s10, $0x1;
	s10 =	sld [smem:$0x3FAF];
	_ =	sdelay $0x3  }
0x37: {  	[smem:$0x3FAF] =	sst s10  }
0x38: {  	s10 =	sld [smem:$0x3FB0]  }
0x39: {  	_ = 	snop;
	(pc) =	sbr.ind lr, $3  }
0x3a: {  	_ = 	snop  }
0x3b: {  	_ = 	snop  }
0x3c: {  	p2 =	seq.s32 s10, $0x1;
	s10 =	sld [smem:$0x3FAF]  }
0x3d: {  	_ =	shalt  }
0x3e: {  	_ =	shalt  }
0x3f: {  	_ =	shalt  }
0x40: {  	_ =	shalt  }
0x41: {  	_ =	shalt  }
0x42: {  	_ =	shalt  }
0x43: {  	_ =	shalt  }
0x44: {  	_ =	shalt  }
0x45: {  	_ =	shalt  }
0x46: {  	_ =	shalt  }
0x47: {  	_ =	shalt  }
0x48: {  	_ =	shalt  }
0x49: {  	_ =	shalt  }
0x4a: {  	_ =	shalt  }
0x4b: {  	_ =	shalt  }
0x4c: {  	_ =	shalt  }
0x4d: {  	_ =	shalt  }
0x4e: {  	_ =	shalt  }
0x4f: {  	_ =	shalt  }
0x50: {  	_ =	shalt  }
0x51: {  	_ =	shalt  }
0x52: {  	_ =	shalt  }
0x53: {  	_ =	shalt  }
0x54: {  	_ =	shalt  }
0x55: {  	_ =	shalt  }
0x56: {  	_ =	shalt  }
0x57: {  	_ =	shalt  }
0x58: {  	_ =	shalt  }
0x59: {  	_ =	shalt  }
0x5a: {  	_ =	shalt  }
0x5b: {  	_ =	shalt  }
0x5c: {  	_ =	shalt  }
0x5d: {  	_ =	shalt  }
0x5e: {  	_ =	shalt  }
0x5f: {  	_ =	shalt  }
0x60: {  	_ =	shalt  }
0x61: {  	_ =	shalt  }
0x62: {  	_ =	shalt  }
0x63: {  	_ =	shalt  }
0x64: {  	_ =	shalt  }
0x65: {  	_ =	shalt  }
0x66: {  	_ =	shalt  }
0x67: {  	_ =	shalt  }
0x68: {  	_ =	shalt  }
0x69: {  	_ =	shalt  }
0x6a: {  	_ =	shalt  }
0x6b: {  	_ =	shalt  }
0x6c: {  	_ =	shalt  }
0x6d: {  	_ =	shalt  }
0x6e: {  	_ =	shalt  }
0x6f: {  	_ =	shalt  }
0x70: {  	_ =	shalt  }
0x71: {  	_ =	shalt  }
0x72: {  	_ =	shalt  }
0x73: {  	_ =	shalt  }
0x74: {  	_ =	shalt  }
0x75: {  	_ =	shalt  }
0x76: {  	_ =	shalt  }
0x77: {  	_ =	shalt  }
0x78: {  	_ =	shalt  }
0x79: {  	_ =	shalt  }
0x7a: {  	_ =	shalt  }
0x7b: {  	_ =	shalt  }
0x7c: {  	_ =	shalt  }
0x7d: {  	_ =	shalt  }
0x7e: {  	_ =	shalt  }
0x7f: {  	_ =	shalt  }
0x80: {  	_ =	shalt  }
0x81: {  	_ =	shalt  }
0x82: {  	_ =	shalt  }
0x83: {  	_ =	shalt  }
0x84: {  	_ =	shalt  }
0x85: {  	_ =	shalt  }
0x86: {  	_ =	shalt  }
0x87: {  	_ =	shalt  }
.Lfunc_end0:
.L_simem_size_0:
called_computation_lowered:
.L_overlay_start_0:
0x88: {  	s2 =	sld [smem:$0x3FD9]  }
0x89: {  	s3 =	sld [smem:$0x3FFE];
	_ =	sdelay $0x1  }
0x8a: {  	s1 =	srdreg.scid  }
0x8b: {  	s0 =	sand.u32 $0x1, s1  }
0x8c: {  	s17 =	sshll.u32 s0, $0xA;
	s2 =	sadd.s32 s3, s2  }
0x8d: {  	s2 =	sadd.s32 s2, s17  }
0x8e: {  	[smem:$0x3FBB] =	sst s2  }
0x8f: {  	_ = 	snop  }
0x90: {  	s2 =	sld [smem:$0x3FD0];
	(tm) =	ssettm $0x1  }
0x91: {  	s18 =	sld [smem:$0x3FFB];
	_ =	sdelay $0x3  }
0x92: {  	_ =	strace s18  }
0x93: {  	s3 =	sld [smem:$0x3FFC];
	_ =	sdelay $0x3  }
0x94: {  	_ =	strace s3  }
0x95: {  	s3 =	sld [smem:$0x3FFD];
	_ =	sdelay $0x3  }
0x96: {  	_ =	strace s3  }
0x97: {  	_ =	strace $0x8FFFFFFF  }
0x98: {  	s19 =	sld [smem:$0x3FDB];
	_ =	sdelay $0x1  }
0x99: {  	s4 =	simm.s32 $_scs_section_size  }
0x9a: {  	s5 =	simm.s32 $_size__tile_overlayer_lowered;
	s6 =	simm.s32 $_tile_overlayer_lowered  }
0x9b: {  	s22 =	simm.s32 $0x1BFF;
	s21 =	sshll.u32 s6, $0x1;
	s3 =	sadd.s32 s4, s19  }
0x9c: {  	s7 =	simm.s32 $0x0;
	s20 =	sshll.u32 s5, $0x1;
	s5 =	sadd.s32 s21, s3  }
0x9d: {  	[timem:s7], [sflag:s22] =	dma.local [hbm:s5], s20  }
0x9e: {  	_ =	swait.ge [sflag:s22], s20  }
0x9f: {  	s4 =	ssub.s32 $0x0, s20;
	[sflag:s22] =	ssyncset.done $0x0  }
0xa0: {  	[sflag:s22] =	ssyncadd.s32 s4;
	_ =	sdelay $0x1  }
0xa1: {  	s23 =	simm.s32 $0x1B8B  }
0xa2: {  	_ =	swait.ge [sflag:s23], $0x1  }
0xa3: {  	[sflag:s23] =	ssyncset.done $0x0  }
0xa4: {  	s25 =	simm.s32 $0x1B8E;
	s24 =	sld [smem:$0x3FFE];
	[sflag:s23] =	ssyncadd.s32 $0xFFFFFFFF  }
0xa5: {  	s26 =	simm.s32 $execute0_lowered;
	[smem:$0x3FD2] =	sst s25  }
0xa6: {  	s5 =	sshll.u32 s26, $0x1;
	_ =	strace $0x80000046;
	[dreg:$0x1] =	wrdreg $0xFFFFFFFF  }
0xa7: {  	s28 =	simm.s32 $_size_execute0_lowered;
	s3 =	sadd.s32 s3, s5;
	[dreg:$0x0] =	wrdreg $0x0  }
0xa8: {  	s5 =	sshll.u32 s28, $0x1;
	[dreg:$0x2] =	wrdreg s3  }
0xa9: {  	[dreg:$0x3] =	wrdreg s5  }
0xaa: {  	[dreg:$0x4] =	wrdreg $0xC0  }
0xab: {  	_ =	task [dreg:s7], $0x5FFFF  }
0xac: {  	[dreg:$0x1] =	wrdreg $0xFFFFFFFF  }
0xad: {  	[dreg:$0x0] =	wrdreg $0x60  }
0xae: {  	[dreg:$0x2] =	wrdreg s24  }
0xaf: {  	[dreg:$0x3] =	wrdreg s2  }
0xb0: {  	[dreg:$0x4] =	wrdreg $0x9  }
0xb1: {  	_ =	task.clear_ibuf [dreg:s7], $0x5FFFF;
	_ =	strace $0x90000046  }
0xb2: {  	s29 =	simm.s32 $0x9;
	_ =	strace $0x80000048  }
0xb3: {  	_ =	swait.ge [sflag:s29], $0x1  }
0xb4: {  	[sflag:s29] =	ssyncadd.s32 $0xFFFFFFFF  }
0xb5: {  	_ =	strace $0x90000048  }
0xb6: {  	_ =	sfence  }
0xb7: {  	s30 =	sld [smem:$0x0];
	_ =	sdelay $0x2  }
0xb8: {  	s31 =	sshll.u32 s1, $0xD;
	s1 =	sshrl.u32 s1, $0x2  }
0xb9: {  	s3 =	sand.u32 $0x4000, s31;
	s1 =	sadd.s32 s1, s30  }
0xba: {  	s0 =	sor.u32 s3, s0;
	s1 =	sshll.u32 s1, $0x11  }
0xbb: {  	s0 =	sor.u32 s1, s0  }
0xbc: {  	s0 =	sadd.s32 $0x8F2B, s0  }
0xbd: {  	[sflag:s0] =	ssyncadd.remote.s32 $0x1  }
0xbe: {  	_ =	sfence.sel $0xFFFF  }
0xbf: {  	[dreg:$0x0] =	wrdreg $0xFFFFFFFF;
	(pc) =	sbr.abs _section_cstart, $3  }
0xc0: {  	[dreg:$0x1] =	wrdreg $0xFFFFFFFF  }
0xc1: {  	_ =	task.clear_ibuf [dreg:s7], $0x2FFFF;
	_ =	strace $0x9FFFFFFF  }
0xc2: {  	(tm) =	ssettm $0x7FFFFFFF  }
0xc3: {  	_ =	shalt  }
tec
execute0_lowered:
.L_overlay_start_1:
0x0: {  	(tag) =	ssettag $0x1  }
0x1: {  	s4 =	rddreg [dreg:$0x0]  }
0x2: {  	s0 =	srdreg.scid;
	s1 =	stileid.u32  }
0x3: {  	s6 =	rddreg [dreg:$0x1];
	s8 =	smul.u32 $0x2710, s1  }
0x4: {  	s2 =	simm.s32 $0x0;
	s3 =	sand.u32 $0x1, s0;
	s10 =	smul.u32 $0x27100, s1  }
0x5: {  	s11 =	simm.s32 $0x0;
	s0 =	rddreg [dreg:$0x2];
	s5 =	smul.u32 $0x271000, s3  }
0x6: {  	[smem:$0x7FF] =	sst s2;
	s7 =	smul.u32 $0x27100, s3;
	s9 =	ssub.s32 $0x2, s3  }
0x7: {  	_ =	strace $0x80000047;
	s3 =	sadd.s32 $0xE600, s4;
	s30 =	sshrl.u32 s9, $0x1  }
0x8: {  	s4 =	sadd.s32 s5, s4;
	s5 =	ssub.s32 s9, s30;
	s7 =	sadd.s32 s8, s7  }
0x9: {  	s8 =	simm.s32 $0x50;
	s9 =	simm.s32 $0x80;
	s31 =	sadd.s32 s10, s4  }
0xa: {  	s4 =	smax.u32 s5, $0x1;
	s7 =	sshrl.u32 s7, $0x3;
	s10 =	simm.s32 $0x1  }
0xb: {  	s5 =	sadd.s32 $0x5CA00, s31;
	s6 =	sadd.s32 s7, s6;
	s7 =	simm.s32 $0x2  }
.LBB2_1:
0xc: {  	s12 =	sadd.s32 $0x0, s6  }
0xd: {  	[tilespmem:s2], [sflag:$0x2] =	stream.linear.gather [hbm4b:s12+s2], $0x50, $0x38;
	[tilespmem:$0x2880] =	vst v63  }
0xe: {  	_ =	swait.ge [sflag:s7], $0x50  }
0xf: {  	[sflag:s7] =	ssyncset.done $0x0  }
0x10: {  	[sflag:s7] =	ssyncadd.s32 $0xFFFFFFB0  }
0x11: {  	[tilespmem:s9], [sflag:$0x1] =	stream.indirect.gather [hbm4b:s3+s8], $0x80, s2, s8, $0xb8;
	[tilespmem:$0x2880] =	vst v63  }
0x12: {  	_ =	swait.ge [sflag:s10], $0x2800  }
0x13: {  	[sflag:s10] =	ssyncset.done $0x0  }
0x14: {  	[sflag:s10] =	ssyncadd.s32 $0xFFFFD800  }
0x15: {  	[hbm4b:s5+s2] =	stream.linear.scatter [tilespmem:s9], [sflag:$0x2], $0x2800, $0x38;
	[tilespmem:$0x2880] =	vst v63  }
0x16: {  	s13 =	simm.s32 $0xA;
	_ =	swait.ge [sflag:s7], $0x2800  }
0x17: {  	s14 =	simm.s32 $0x14;
	s12 =	sadd.s32 $0x500, s5;
	[sflag:s7] =	ssyncset.done $0x0  }
.LBB2_2:
0x18: {  	s15 =	sadd.s32 s13, s6  }
0x19: {  	[sflag:s7] =	ssyncadd.s32 $0xFFFFD800;
	s13 =	smov.u32 s14;
	s16 =	sadd.s32 $0xA, s14  }
0x1a: {  	[tilespmem:s2], [sflag:$0x2] =	stream.linear.gather [hbm4b:s15+s2], $0x50, $0x38;
	[tilespmem:$0x2880] =	vst v63  }
0x1b: {  	p0 =	sne.s32 s14, $0x4D8;
	_ =	swait.ge [sflag:s7], $0x50  }
0x1c: {  	[sflag:s7] =	ssyncset.done $0x0  }
0x1d: {  	[sflag:s7] =	ssyncadd.s32 $0xFFFFFFB0  }
0x1e: {  	[tilespmem:s9], [sflag:$0x1] =	stream.indirect.gather [hbm4b:s3+s8], $0x80, s2, s8, $0xb8;
	[tilespmem:$0x2880] =	vst v63  }
0x1f: {  	_ =	swait.ge [sflag:s10], $0x2800  }
.Ltmp0:
0x20: {  	[sflag:s10] =	ssyncset.done $0x0;
	(pc) =	sbr.rel @p0 .LBB2_2-.Ltmp0, $4  }
0x21: {  	[sflag:s10] =	ssyncadd.s32 $0xFFFFD800  }
0x22: {  	[hbm4b:s12+s2] =	stream.linear.scatter [tilespmem:s9], [sflag:$0x2], $0x2800, $0x38;
	[tilespmem:$0x2880] =	vst v63  }
0x23: {  	_ =	swait.ge [sflag:s7], $0x2800  }
0x24: {  	s14 =	smov.u32 s16;
	s12 =	sadd.s32 $0x500, s12;
	[sflag:s7] =	ssyncset.done $0x0  }
0x25: {  	s13 =	sadd.s32 s13, s6;
	[sflag:s7] =	ssyncadd.s32 $0xFFFFD800  }
0x26: {  	[tilespmem:s2], [sflag:$0x2] =	stream.linear.gather [hbm4b:s13+s2], $0x50, $0x38;
	[tilespmem:$0x2880] =	vst v63  }
0x27: {  	_ =	swait.ge [sflag:s7], $0x50  }
0x28: {  	[sflag:s7] =	ssyncset.done $0x0  }
0x29: {  	[sflag:s7] =	ssyncadd.s32 $0xFFFFFFB0  }
0x2a: {  	[tilespmem:s9], [sflag:$0x1] =	stream.indirect.gather [hbm4b:s3+s8], $0x80, s2, s8, $0xb8;
	[tilespmem:$0x2880] =	vst v63  }
0x2b: {  	s11 =	sadd.s32 $0x1, s11;
	_ =	swait.ge [sflag:s10], $0x2800  }
0x2c: {  	p0 =	sne.s32 s11, s4;
	[sflag:s10] =	ssyncset.done $0x0  }
.Ltmp1:
0x2d: {  	[sflag:s10] =	ssyncadd.s32 $0xFFFFD800;
	(pc) =	sbr.rel @p0 .LBB2_1-.Ltmp1, $4  }
0x2e: {  	[hbm4b:s12+s2] =	stream.linear.scatter [tilespmem:s9], [sflag:$0x2], $0x2800, $0x38;
	[tilespmem:$0x2880] =	vst v63  }
0x2f: {  	_ =	swait.ge [sflag:s7], $0x2800  }
0x30: {  	[sflag:s7] =	ssyncset.done $0x0  }
0x31: {  	[sflag:s7] =	ssyncadd.s32 $0xFFFFD800  }
0x32: {  	_ =	sfence.sel $0x180000  }
0x33: {  	[bflag:$0x0] =	sbarrier.arrive $0xFFFF  }
0x34: {  	p0 =	sne.s32 s1, $0x0;
	_ =	strace $0x90000047  }
0x35: {  	s0 =	sadd.s32 @!p0 $0x100000, s0;
	[bflag:$0x2] =	sbarrier.arrive $0xFFFF  }
0x36: {  	[sflag:s0] =	ssyncadd.tile.s32 @!p0 $0x1;
	_ =	shalt  }
.Lfunc_end2:
_tile_overlayer_lowered:
.L_overlay_start_2:
0x37: {  	(tag) =	ssettag $0x2  }
0x38: {  	s0 =	rddreg [dreg:$0x0];
	s2 =	stileid.u32  }
0x39: {  	s1 =	rddreg [dreg:$0x1];
	p0 =	sne.s32 s2, $0x0  }
0x3a: {  	s3 =	rddreg [dreg:$0x2];
	[bflag:$0x3] =	sbarrier.arrive $0xFFFF;
	s2 =	simm.s32 @!p0 $0x1C02  }
0x3b: {  	[timem:s3], [sflag:s2] =	dma.local @!p0 [hbm:s0], s1  }
0x3c: {  	s0 =	simm.s32 @!p0 $0x2  }
0x3d: {  	_ =	swait.ge @!p0 [sflag:s0], s1  }
0x3e: {  	s1 =	ssub.s32 @!p0 $0x0, s1;
	[sflag:s0] =	ssyncset.done @!p0 $0x0  }
0x3f: {  	[sflag:s0] =	ssyncadd.s32 @!p0 s1  }
0x40: {  	[bflag:$0x3] =	sbarrier.arrive $0xFFFF  }
0x41: {  	_ =	shalt  }

// kernel: kernel.16.cloned.1.call-start
scs
__scs_entry_jumppad:
0x0: {  	(pc) =	sbr.rel $0x88, $3  }
0x1: {  	(tag) =	ssettag $0x0;
	lr =	simm.s32 $0x1  }
0x2: {  	[smem:$0x3F94] =	sst lr;
	_ =	strace $0xD0000000  }
0x3: {  	_ = 	snop  }
0x4: {  	_ = 	snop  }
0x5: {  	_ = 	snop  }
0x6: {  	_ = 	snop  }
0x7: {  	_ = 	snop  }
__scs_overlays_trampoline_lowered:
0x8: {  	[smem:$0x3FA3] =	sst s0  }
0x9: {  	[smem:$0x3FA4] =	sst s1  }
0xa: {  	[smem:$0x3FA5] =	sst s2  }
0xb: {  	[smem:$0x3FA6] =	sst s3  }
0xc: {  	[smem:$0x3FA7] =	sst s4  }
0xd: {  	[smem:$0x3FA8] =	sst s5  }
0xe: {  	[smem:$0x3FA9] =	sst s6  }
0xf: {  	[smem:$0x3FAA] =	sst s7  }
0x10: {  	[smem:$0x3FAB] =	sst s8  }
0x11: {  	[smem:$0x3FAC] =	sst s9;
	s0 =	simm.s32 @!p0 $0x0  }
0x12: {  	s1 =	sld [smem:$0x3F92];
	s0 =	simm.s32 @p0 $0x1  }
0x13: {  	[smem:$0x3FAD] =	sst s0;
	s0 =	simm.s32 @!p1 $0x0  }
0x14: {  	s2 =	sld [smem:$0x3F91];
	s0 =	simm.s32 @p1 $0x1  }
0x15: {  	[smem:$0x3FAE] =	sst s0;
	s0 =	simm.s32 @!p2 $0x0  }
0x16: {  	s3 =	sld [smem:$0x3FDB];
	s0 =	simm.s32 @p2 $0x1  }
0x17: {  	s4 =	simm.s32 $0x1BF5;
	[smem:$0x3FB0] =	sst s0  }
0x18: {  	s0 =	sld [smem:$0x3F93];
	_ =	swait.ge [sflag:s4], $0x0  }
0x19: {  	s7 =	sld [smem:$0x3F94]  }
0x1a: {  	s8 =	sadd.s32 $0xFFFFE003, lr  }
0x1b: {  	s9 =	sadd.s32 $0xFFFFFEF7, lr;
	s5 =	simm.s32 $0xFFFFFFFF;
	p2 =	slt.u32 s8, $0xFFFFF086  }
0x1c: {  	p1 =	slt.u32 s9, $0xF7A;
	s5 =	simm.s32 @!p2 $0x0  }
0x1d: {  	s5 =	simm.s32 @p1 $0x1;
	p0 =	seq.s32 s7, s2  }
0x1e: {  	s7 =	smul.u32 @!p0 $0xF7A, s2;
	p2 =	seq.s32 @!p0 s5, $0x0  }
0x1f: {  	s9 =	smul.u32 $0xF7A, s1;
	s8 =	simm.s32 @!p0 $0x1BF5;
	p2 =	por !p2, p0  }
0x20: {  	[sflag:s8] =	ssyncset.s32 @!p0 $0xFFFFF086;
	s6 =	sadd.s32 @!p0 s3, s7;
	s7 =	simm.s32 @!p0 $0x108  }
0x21: {  	s3 =	sadd.s32 s3, s9;
	s6 =	sadd.s32 @!p0 $0x88, s6;
	s7 =	simm.s32 @p2 $0x1082  }
0x22: {  	[simem:s7], [sflag:s8] =	dma.local @!p0 [hbm:s6], $0xF7A  }
0x23: {  	s9 =	sor.u32 $0xD0000000, s2;
	s6 =	simm.s32 $0x108;
	_ =	swait.ge @!p0 [sflag:s8], $0x0  }
0x24: {  	s3 =	sadd.s32 $0x88, s3;
	s6 =	simm.s32 @!p1 $0x1082;
	[sflag:s4] =	ssyncset.s32 $0xFFFFF086  }
0x25: {  	[simem:s6], [sflag:s4] =	dma.local [hbm:s3], $0xF7A  }
0x26: {  	[smem:$0x3F94] =	sst s1;
	(tag) =	ssettag s2;
	_ =	strace s9  }
0x27: {  	s1 =	sld [smem:$0x3FA4]  }
0x28: {  	s2 =	sld [smem:$0x3FA5]  }
0x29: {  	s4 =	sld [smem:$0x3FA7]  }
0x2a: {  	p0 =	seq.s32 s5, $0x0;
	s5 =	sld [smem:$0x3FA8]  }
0x2b: {  	s6 =	sld [smem:$0x3FA9]  }
0x2c: {  	s7 =	sld [smem:$0x3FAA]  }
0x2d: {  	s3 =	simm.s32 $0x108;
	s8 =	sld [smem:$0x3FAB]  }
0x2e: {  	s3 =	simm.s32 @!p0 $0x1082;
	s9 =	sld [smem:$0x3FAC]  }
0x2f: {  	lr =	sadd.s32 s0, s3;
	s0 =	sld [smem:$0x3FA3]  }
0x30: {  	s3 =	sld [smem:$0x3FA6]  }
0x31: {  	[smem:$0x3FAF] =	sst s10  }
0x32: {  	s10 =	sld [smem:$0x3FAD];
	_ =	sdelay $0x3  }
0x33: {  	p0 =	seq.s32 s10, $0x1;
	s10 =	sld [smem:$0x3FAF];
	_ =	sdelay $0x3  }
0x34: {  	[smem:$0x3FAF] =	sst s10  }
0x35: {  	s10 =	sld [smem:$0x3FAE];
	_ =	sdelay $0x3  }
0x36: {  	p1 =	seq.s32 s10, $0x1;
	s10 =	sld [smem:$0x3FAF];
	_ =	sdelay $0x3  }
0x37: {  	[smem:$0x3FAF] =	sst s10  }
0x38: {  	s10 =	sld [smem:$0x3FB0]  }
0x39: {  	_ = 	snop;
	(pc) =	sbr.ind lr, $3  }
0x3a: {  	_ = 	snop  }
0x3b: {  	_ = 	snop  }
0x3c: {  	p2 =	seq.s32 s10, $0x1;
	s10 =	sld [smem:$0x3FAF]  }
0x3d: {  	_ =	shalt  }
0x3e: {  	_ =	shalt  }
0x3f: {  	_ =	shalt  }
0x40: {  	_ =	shalt  }
0x41: {  	_ =	shalt  }
0x42: {  	_ =	shalt  }
0x43: {  	_ =	shalt  }
0x44: {  	_ =	shalt  }
0x45: {  	_ =	shalt  }
0x46: {  	_ =	shalt  }
0x47: {  	_ =	shalt  }
0x48: {  	_ =	shalt  }
0x49: {  	_ =	shalt  }
0x4a: {  	_ =	shalt  }
0x4b: {  	_ =	shalt  }
0x4c: {  	_ =	shalt  }
0x4d: {  	_ =	shalt  }
0x4e: {  	_ =	shalt  }
0x4f: {  	_ =	shalt  }
0x50: {  	_ =	shalt  }
0x51: {  	_ =	shalt  }
0x52: {  	_ =	shalt  }
0x53: {  	_ =	shalt  }
0x54: {  	_ =	shalt  }
0x55: {  	_ =	shalt  }
0x56: {  	_ =	shalt  }
0x57: {  	_ =	shalt  }
0x58: {  	_ =	shalt  }
0x59: {  	_ =	shalt  }
0x5a: {  	_ =	shalt  }
0x5b: {  	_ =	shalt  }
0x5c: {  	_ =	shalt  }
0x5d: {  	_ =	shalt  }
0x5e: {  	_ =	shalt  }
0x5f: {  	_ =	shalt  }
0x60: {  	_ =	shalt  }
0x61: {  	_ =	shalt  }
0x62: {  	_ =	shalt  }
0x63: {  	_ =	shalt  }
0x64: {  	_ =	shalt  }
0x65: {  	_ =	shalt  }
0x66: {  	_ =	shalt  }
0x67: {  	_ =	shalt  }
0x68: {  	_ =	shalt  }
0x69: {  	_ =	shalt  }
0x6a: {  	_ =	shalt  }
0x6b: {  	_ =	shalt  }
0x6c: {  	_ =	shalt  }
0x6d: {  	_ =	shalt  }
0x6e: {  	_ =	shalt  }
0x6f: {  	_ =	shalt  }
0x70: {  	_ =	shalt  }
0x71: {  	_ =	shalt  }
0x72: {  	_ =	shalt  }
0x73: {  	_ =	shalt  }
0x74: {  	_ =	shalt  }
0x75: {  	_ =	shalt  }
0x76: {  	_ =	shalt  }
0x77: {  	_ =	shalt  }
0x78: {  	_ =	shalt  }
0x79: {  	_ =	shalt  }
0x7a: {  	_ =	shalt  }
0x7b: {  	_ =	shalt  }
0x7c: {  	_ =	shalt  }
0x7d: {  	_ =	shalt  }
0x7e: {  	_ =	shalt  }
0x7f: {  	_ =	shalt  }
0x80: {  	_ =	shalt  }
0x81: {  	_ =	shalt  }
0x82: {  	_ =	shalt  }
0x83: {  	_ =	shalt  }
0x84: {  	_ =	shalt  }
0x85: {  	_ =	shalt  }
0x86: {  	_ =	shalt  }
0x87: {  	_ =	shalt  }
.Lfunc_end0:
.L_simem_size_0:
called_computation.1_lowered:
.L_overlay_start_0:
0x88: {  	s2 =	sld [smem:$0x3FD9]  }
0x89: {  	s3 =	sld [smem:$0x3FFE];
	_ =	sdelay $0x1  }
0x8a: {  	s1 =	srdreg.scid  }
0x8b: {  	s0 =	sand.u32 $0x1, s1  }
0x8c: {  	s17 =	sshll.u32 s0, $0xA;
	s2 =	sadd.s32 s3, s2  }
0x8d: {  	s2 =	sadd.s32 s2, s17  }
0x8e: {  	[smem:$0x3FBB] =	sst s2  }
0x8f: {  	_ = 	snop  }
0x90: {  	s2 =	sld [smem:$0x3FD0];
	(tm) =	ssettm $0x1  }
0x91: {  	s18 =	sld [smem:$0x3FFB];
	_ =	sdelay $0x3  }
0x92: {  	_ =	strace s18  }
0x93: {  	s3 =	sld [smem:$0x3FFC];
	_ =	sdelay $0x3  }
0x94: {  	_ =	strace s3  }
0x95: {  	s3 =	sld [smem:$0x3FFD];
	_ =	sdelay $0x3  }
0x96: {  	_ =	strace s3  }
0x97: {  	_ =	strace $0x8FFFFFFF  }
0x98: {  	s19 =	sld [smem:$0x3FDB];
	_ =	sdelay $0x1  }
0x99: {  	s4 =	simm.s32 $_scs_section_size  }
0x9a: {  	s5 =	simm.s32 $_size__tile_overlayer_lowered;
	s6 =	simm.s32 $_tile_overlayer_lowered  }
0x9b: {  	s22 =	simm.s32 $0x1BFF;
	s21 =	sshll.u32 s6, $0x1;
	s3 =	sadd.s32 s4, s19  }
0x9c: {  	s7 =	simm.s32 $0x0;
	s20 =	sshll.u32 s5, $0x1;
	s5 =	sadd.s32 s21, s3  }
0x9d: {  	[timem:s7], [sflag:s22] =	dma.local [hbm:s5], s20  }
0x9e: {  	_ =	swait.ge [sflag:s22], s20  }
0x9f: {  	s4 =	ssub.s32 $0x0, s20;
	[sflag:s22] =	ssyncset.done $0x0  }
0xa0: {  	[sflag:s22] =	ssyncadd.s32 s4;
	_ =	sdelay $0x1  }
0xa1: {  	s23 =	simm.s32 $0x1B8B  }
0xa2: {  	_ =	swait.ge [sflag:s23], $0x1  }
0xa3: {  	[sflag:s23] =	ssyncset.done $0x0  }
0xa4: {  	s25 =	simm.s32 $0x1B8E;
	s24 =	sld [smem:$0x3FFE];
	[sflag:s23] =	ssyncadd.s32 $0xFFFFFFFF  }
0xa5: {  	s26 =	simm.s32 $execute0_lowered;
	[smem:$0x3FD2] =	sst s25  }
0xa6: {  	s5 =	sshll.u32 s26, $0x1;
	_ =	strace $0x80000049;
	[dreg:$0x1] =	wrdreg $0xFFFFFFFF  }
0xa7: {  	s28 =	simm.s32 $_size_execute0_lowered;
	s3 =	sadd.s32 s3, s5;
	[dreg:$0x0] =	wrdreg $0x0  }
0xa8: {  	s5 =	sshll.u32 s28, $0x1;
	[dreg:$0x2] =	wrdreg s3  }
0xa9: {  	[dreg:$0x3] =	wrdreg s5  }
0xaa: {  	[dreg:$0x4] =	wrdreg $0xC0  }
0xab: {  	_ =	task [dreg:s7], $0x5FFFF  }
0xac: {  	[dreg:$0x1] =	wrdreg $0xFFFFFFFF  }
0xad: {  	[dreg:$0x0] =	wrdreg $0x60  }
0xae: {  	[dreg:$0x2] =	wrdreg s24  }
0xaf: {  	[dreg:$0x3] =	wrdreg s2  }
0xb0: {  	[dreg:$0x4] =	wrdreg $0x9  }
0xb1: {  	_ =	task.clear_ibuf [dreg:s7], $0x5FFFF;
	_ =	strace $0x90000049  }
0xb2: {  	s29 =	simm.s32 $0x9;
	_ =	strace $0x8000004B  }
0xb3: {  	_ =	swait.ge [sflag:s29], $0x1  }
0xb4: {  	[sflag:s29] =	ssyncadd.s32 $0xFFFFFFFF  }
0xb5: {  	_ =	strace $0x9000004B  }
0xb6: {  	_ =	sfence  }
0xb7: {  	s30 =	sld [smem:$0x0];
	_ =	sdelay $0x2  }
0xb8: {  	s31 =	sshll.u32 s1, $0xD;
	s1 =	sshrl.u32 s1, $0x2  }
0xb9: {  	s3 =	sand.u32 $0x4000, s31;
	s1 =	sadd.s32 s1, s30  }
0xba: {  	s0 =	sor.u32 s3, s0;
	s1 =	sshll.u32 s1, $0x11  }
0xbb: {  	s0 =	sor.u32 s1, s0  }
0xbc: {  	s0 =	sadd.s32 $0x8F2B, s0  }
0xbd: {  	[sflag:s0] =	ssyncadd.remote.s32 $0x1  }
0xbe: {  	_ =	sfence.sel $0xFFFF  }
0xbf: {  	[dreg:$0x0] =	wrdreg $0xFFFFFFFF;
	(pc) =	sbr.abs _section_cstart, $3  }
0xc0: {  	[dreg:$0x1] =	wrdreg $0xFFFFFFFF  }
0xc1: {  	_ =	task.clear_ibuf [dreg:s7], $0x2FFFF;
	_ =	strace $0x9FFFFFFF  }
0xc2: {  	(tm) =	ssettm $0x7FFFFFFF  }
0xc3: {  	_ =	shalt  }
tec
execute0_lowered:
.L_overlay_start_1:
0x0: {  	(tag) =	ssettag $0x1  }
0x1: {  	s4 =	rddreg [dreg:$0x0]  }
0x2: {  	s0 =	srdreg.scid;
	s1 =	stileid.u32  }
0x3: {  	s6 =	rddreg [dreg:$0x1];
	s8 =	smul.u32 $0x2710, s1  }
0x4: {  	s2 =	simm.s32 $0x0;
	s3 =	sand.u32 $0x1, s0;
	s10 =	smul.u32 $0x27100, s1  }
0x5: {  	s11 =	simm.s32 $0x0;
	s0 =	rddreg [dreg:$0x2];
	s5 =	smul.u32 $0x271000, s3  }
0x6: {  	[smem:$0x7FF] =	sst s2;
	s7 =	smul.u32 $0x27100, s3;
	s9 =	ssub.s32 $0x2, s3  }
0x7: {  	_ =	strace $0x8000004A;
	s3 =	sadd.s32 $0xE600, s4;
	s30 =	sshrl.u32 s9, $0x1  }
0x8: {  	s4 =	sadd.s32 s5, s4;
	s5 =	ssub.s32 s9, s30;
	s7 =	sadd.s32 s8, s7  }
0x9: {  	s8 =	simm.s32 $0x50;
	s9 =	simm.s32 $0x80;
	s31 =	sadd.s32 s10, s4  }
0xa: {  	s4 =	smax.u32 s5, $0x1;
	s7 =	sshrl.u32 s7, $0x3;
	s10 =	simm.s32 $0x1  }
0xb: {  	s5 =	sadd.s32 $0x53F200, s31;
	s6 =	sadd.s32 s7, s6;
	s7 =	simm.s32 $0x2  }
.LBB2_1:
0xc: {  	s12 =	sadd.s32 $0x0, s6  }
0xd: {  	[tilespmem:s2], [sflag:$0x2] =	stream.linear.gather [hbm4b:s12+s2], $0x50, $0x38;
	[tilespmem:$0x2880] =	vst v63  }
0xe: {  	_ =	swait.ge [sflag:s7], $0x50  }
0xf: {  	[sflag:s7] =	ssyncset.done $0x0  }
0x10: {  	[sflag:s7] =	ssyncadd.s32 $0xFFFFFFB0  }
0x11: {  	[tilespmem:s9], [sflag:$0x1] =	stream.indirect.gather [hbm4b:s3+s8], $0x80, s2, s8, $0xb8;
	[tilespmem:$0x2880] =	vst v63  }
0x12: {  	_ =	swait.ge [sflag:s10], $0x2800  }
0x13: {  	[sflag:s10] =	ssyncset.done $0x0  }
0x14: {  	[sflag:s10] =	ssyncadd.s32 $0xFFFFD800  }
0x15: {  	[hbm4b:s5+s2] =	stream.linear.scatter [tilespmem:s9], [sflag:$0x2], $0x2800, $0x38;
	[tilespmem:$0x2880] =	vst v63  }
0x16: {  	s13 =	simm.s32 $0xA;
	_ =	swait.ge [sflag:s7], $0x2800  }
0x17: {  	s14 =	simm.s32 $0x14;
	s12 =	sadd.s32 $0x500, s5;
	[sflag:s7] =	ssyncset.done $0x0  }
.LBB2_2:
0x18: {  	s15 =	sadd.s32 s13, s6  }
0x19: {  	[sflag:s7] =	ssyncadd.s32 $0xFFFFD800;
	s13 =	smov.u32 s14;
	s16 =	sadd.s32 $0xA, s14  }
0x1a: {  	[tilespmem:s2], [sflag:$0x2] =	stream.linear.gather [hbm4b:s15+s2], $0x50, $0x38;
	[tilespmem:$0x2880] =	vst v63  }
0x1b: {  	p0 =	sne.s32 s14, $0x4D8;
	_ =	swait.ge [sflag:s7], $0x50  }
0x1c: {  	[sflag:s7] =	ssyncset.done $0x0  }
0x1d: {  	[sflag:s7] =	ssyncadd.s32 $0xFFFFFFB0  }
0x1e: {  	[tilespmem:s9], [sflag:$0x1] =	stream.indirect.gather [hbm4b:s3+s8], $0x80, s2, s8, $0xb8;
	[tilespmem:$0x2880] =	vst v63  }
0x1f: {  	_ =	swait.ge [sflag:s10], $0x2800  }
.Ltmp0:
0x20: {  	[sflag:s10] =	ssyncset.done $0x0;
	(pc) =	sbr.rel @p0 .LBB2_2-.Ltmp0, $4  }
0x21: {  	[sflag:s10] =	ssyncadd.s32 $0xFFFFD800  }
0x22: {  	[hbm4b:s12+s2] =	stream.linear.scatter [tilespmem:s9], [sflag:$0x2], $0x2800, $0x38;
	[tilespmem:$0x2880] =	vst v63  }
0x23: {  	_ =	swait.ge [sflag:s7], $0x2800  }
0x24: {  	s14 =	smov.u32 s16;
	s12 =	sadd.s32 $0x500, s12;
	[sflag:s7] =	ssyncset.done $0x0  }
0x25: {  	s13 =	sadd.s32 s13, s6;
	[sflag:s7] =	ssyncadd.s32 $0xFFFFD800  }
0x26: {  	[tilespmem:s2], [sflag:$0x2] =	stream.linear.gather [hbm4b:s13+s2], $0x50, $0x38;
	[tilespmem:$0x2880] =	vst v63  }
0x27: {  	_ =	swait.ge [sflag:s7], $0x50  }
0x28: {  	[sflag:s7] =	ssyncset.done $0x0  }
0x29: {  	[sflag:s7] =	ssyncadd.s32 $0xFFFFFFB0  }
0x2a: {  	[tilespmem:s9], [sflag:$0x1] =	stream.indirect.gather [hbm4b:s3+s8], $0x80, s2, s8, $0xb8;
	[tilespmem:$0x2880] =	vst v63  }
0x2b: {  	s11 =	sadd.s32 $0x1, s11;
	_ =	swait.ge [sflag:s10], $0x2800  }
0x2c: {  	p0 =	sne.s32 s11, s4;
	[sflag:s10] =	ssyncset.done $0x0  }
.Ltmp1:
0x2d: {  	[sflag:s10] =	ssyncadd.s32 $0xFFFFD800;
	(pc) =	sbr.rel @p0 .LBB2_1-.Ltmp1, $4  }
0x2e: {  	[hbm4b:s12+s2] =	stream.linear.scatter [tilespmem:s9], [sflag:$0x2], $0x2800, $0x38;
	[tilespmem:$0x2880] =	vst v63  }
0x2f: {  	_ =	swait.ge [sflag:s7], $0x2800  }
0x30: {  	[sflag:s7] =	ssyncset.done $0x0  }
0x31: {  	[sflag:s7] =	ssyncadd.s32 $0xFFFFD800  }
0x32: {  	_ =	sfence.sel $0x180000  }
0x33: {  	[bflag:$0x0] =	sbarrier.arrive $0xFFFF  }
0x34: {  	p0 =	sne.s32 s1, $0x0;
	_ =	strace $0x9000004A  }
0x35: {  	s0 =	sadd.s32 @!p0 $0x100000, s0;
	[bflag:$0x2] =	sbarrier.arrive $0xFFFF  }
0x36: {  	[sflag:s0] =	ssyncadd.tile.s32 @!p0 $0x1;
	_ =	shalt  }
.Lfunc_end2:
_tile_overlayer_lowered:
.L_overlay_start_2:
0x37: {  	(tag) =	ssettag $0x2  }
0x38: {  	s0 =	rddreg [dreg:$0x0];
	s2 =	stileid.u32  }
0x39: {  	s1 =	rddreg [dreg:$0x1];
	p0 =	sne.s32 s2, $0x0  }
0x3a: {  	s3 =	rddreg [dreg:$0x2];
	[bflag:$0x3] =	sbarrier.arrive $0xFFFF;
	s2 =	simm.s32 @!p0 $0x1C02  }
0x3b: {  	[timem:s3], [sflag:s2] =	dma.local @!p0 [hbm:s0], s1  }
0x3c: {  	s0 =	simm.s32 @!p0 $0x2  }
0x3d: {  	_ =	swait.ge @!p0 [sflag:s0], s1  }
0x3e: {  	s1 =	ssub.s32 @!p0 $0x0, s1;
	[sflag:s0] =	ssyncset.done @!p0 $0x0  }
0x3f: {  	[sflag:s0] =	ssyncadd.s32 @!p0 s1  }
0x40: {  	[bflag:$0x3] =	sbarrier.arrive $0xFFFF  }
0x41: {  	_ =	shalt  }

// kernel: kernel.19.cloned.1.call-start
scs
__scs_entry_jumppad:
0x0: {  	(pc) =	sbr.rel $0x88, $3  }
0x1: {  	(tag) =	ssettag $0x0;
	lr =	simm.s32 $0x1  }
0x2: {  	[smem:$0x3F94] =	sst lr;
	_ =	strace $0xD0000000  }
0x3: {  	_ = 	snop  }
0x4: {  	_ = 	snop  }
0x5: {  	_ = 	snop  }
0x6: {  	_ = 	snop  }
0x7: {  	_ = 	snop  }
__scs_overlays_trampoline_lowered:
0x8: {  	[smem:$0x3FA3] =	sst s0  }
0x9: {  	[smem:$0x3FA4] =	sst s1  }
0xa: {  	[smem:$0x3FA5] =	sst s2  }
0xb: {  	[smem:$0x3FA6] =	sst s3  }
0xc: {  	[smem:$0x3FA7] =	sst s4  }
0xd: {  	[smem:$0x3FA8] =	sst s5  }
0xe: {  	[smem:$0x3FA9] =	sst s6  }
0xf: {  	[smem:$0x3FAA] =	sst s7  }
0x10: {  	[smem:$0x3FAB] =	sst s8  }
0x11: {  	[smem:$0x3FAC] =	sst s9;
	s0 =	simm.s32 @!p0 $0x0  }
0x12: {  	s1 =	sld [smem:$0x3F92];
	s0 =	simm.s32 @p0 $0x1  }
0x13: {  	[smem:$0x3FAD] =	sst s0;
	s0 =	simm.s32 @!p1 $0x0  }
0x14: {  	s2 =	sld [smem:$0x3F91];
	s0 =	simm.s32 @p1 $0x1  }
0x15: {  	[smem:$0x3FAE] =	sst s0;
	s0 =	simm.s32 @!p2 $0x0  }
0x16: {  	s3 =	sld [smem:$0x3FDB];
	s0 =	simm.s32 @p2 $0x1  }
0x17: {  	s4 =	simm.s32 $0x1BF5;
	[smem:$0x3FB0] =	sst s0  }
0x18: {  	s0 =	sld [smem:$0x3F93];
	_ =	swait.ge [sflag:s4], $0x0  }
0x19: {  	s7 =	sld [smem:$0x3F94]  }
0x1a: {  	s8 =	sadd.s32 $0xFFFFE003, lr  }
0x1b: {  	s9 =	sadd.s32 $0xFFFFFEF7, lr;
	s5 =	simm.s32 $0xFFFFFFFF;
	p2 =	slt.u32 s8, $0xFFFFF086  }
0x1c: {  	p1 =	slt.u32 s9, $0xF7A;
	s5 =	simm.s32 @!p2 $0x0  }
0x1d: {  	s5 =	simm.s32 @p1 $0x1;
	p0 =	seq.s32 s7, s2  }
0x1e: {  	s7 =	smul.u32 @!p0 $0xF7A, s2;
	p2 =	seq.s32 @!p0 s5, $0x0  }
0x1f: {  	s9 =	smul.u32 $0xF7A, s1;
	s8 =	simm.s32 @!p0 $0x1BF5;
	p2 =	por !p2, p0  }
0x20: {  	[sflag:s8] =	ssyncset.s32 @!p0 $0xFFFFF086;
	s6 =	sadd.s32 @!p0 s3, s7;
	s7 =	simm.s32 @!p0 $0x108  }
0x21: {  	s3 =	sadd.s32 s3, s9;
	s6 =	sadd.s32 @!p0 $0x88, s6;
	s7 =	simm.s32 @p2 $0x1082  }
0x22: {  	[simem:s7], [sflag:s8] =	dma.local @!p0 [hbm:s6], $0xF7A  }
0x23: {  	s9 =	sor.u32 $0xD0000000, s2;
	s6 =	simm.s32 $0x108;
	_ =	swait.ge @!p0 [sflag:s8], $0x0  }
0x24: {  	s3 =	sadd.s32 $0x88, s3;
	s6 =	simm.s32 @!p1 $0x1082;
	[sflag:s4] =	ssyncset.s32 $0xFFFFF086  }
0x25: {  	[simem:s6], [sflag:s4] =	dma.local [hbm:s3], $0xF7A  }
0x26: {  	[smem:$0x3F94] =	sst s1;
	(tag) =	ssettag s2;
	_ =	strace s9  }
0x27: {  	s1 =	sld [smem:$0x3FA4]  }
0x28: {  	s2 =	sld [smem:$0x3FA5]  }
0x29: {  	s4 =	sld [smem:$0x3FA7]  }
0x2a: {  	p0 =	seq.s32 s5, $0x0;
	s5 =	sld [smem:$0x3FA8]  }
0x2b: {  	s6 =	sld [smem:$0x3FA9]  }
0x2c: {  	s7 =	sld [smem:$0x3FAA]  }
0x2d: {  	s3 =	simm.s32 $0x108;
	s8 =	sld [smem:$0x3FAB]  }
0x2e: {  	s3 =	simm.s32 @!p0 $0x1082;
	s9 =	sld [smem:$0x3FAC]  }
0x2f: {  	lr =	sadd.s32 s0, s3;
	s0 =	sld [smem:$0x3FA3]  }
0x30: {  	s3 =	sld [smem:$0x3FA6]  }
0x31: {  	[smem:$0x3FAF] =	sst s10  }
0x32: {  	s10 =	sld [smem:$0x3FAD];
	_ =	sdelay $0x3  }
0x33: {  	p0 =	seq.s32 s10, $0x1;
	s10 =	sld [smem:$0x3FAF];
	_ =	sdelay $0x3  }
0x34: {  	[smem:$0x3FAF] =	sst s10  }
0x35: {  	s10 =	sld [smem:$0x3FAE];
	_ =	sdelay $0x3  }
0x36: {  	p1 =	seq.s32 s10, $0x1;
	s10 =	sld [smem:$0x3FAF];
	_ =	sdelay $0x3  }
0x37: {  	[smem:$0x3FAF] =	sst s10  }
0x38: {  	s10 =	sld [smem:$0x3FB0]  }
0x39: {  	_ = 	snop;
	(pc) =	sbr.ind lr, $3  }
0x3a: {  	_ = 	snop  }
0x3b: {  	_ = 	snop  }
0x3c: {  	p2 =	seq.s32 s10, $0x1;
	s10 =	sld [smem:$0x3FAF]  }
0x3d: {  	_ =	shalt  }
0x3e: {  	_ =	shalt  }
0x3f: {  	_ =	shalt  }
0x40: {  	_ =	shalt  }
0x41: {  	_ =	shalt  }
0x42: {  	_ =	shalt  }
0x43: {  	_ =	shalt  }
0x44: {  	_ =	shalt  }
0x45: {  	_ =	shalt  }
0x46: {  	_ =	shalt  }
0x47: {  	_ =	shalt  }
0x48: {  	_ =	shalt  }
0x49: {  	_ =	shalt  }
0x4a: {  	_ =	shalt  }
0x4b: {  	_ =	shalt  }
0x4c: {  	_ =	shalt  }
0x4d: {  	_ =	shalt  }
0x4e: {  	_ =	shalt  }
0x4f: {  	_ =	shalt  }
0x50: {  	_ =	shalt  }
0x51: {  	_ =	shalt  }
0x52: {  	_ =	shalt  }
0x53: {  	_ =	shalt  }
0x54: {  	_ =	shalt  }
0x55: {  	_ =	shalt  }
0x56: {  	_ =	shalt  }
0x57: {  	_ =	shalt  }
0x58: {  	_ =	shalt  }
0x59: {  	_ =	shalt  }
0x5a: {  	_ =	shalt  }
0x5b: {  	_ =	shalt  }
0x5c: {  	_ =	shalt  }
0x5d: {  	_ =	shalt  }
0x5e: {  	_ =	shalt  }
0x5f: {  	_ =	shalt  }
0x60: {  	_ =	shalt  }
0x61: {  	_ =	shalt  }
0x62: {  	_ =	shalt  }
0x63: {  	_ =	shalt  }
0x64: {  	_ =	shalt  }
0x65: {  	_ =	shalt  }
0x66: {  	_ =	shalt  }
0x67: {  	_ =	shalt  }
0x68: {  	_ =	shalt  }
0x69: {  	_ =	shalt  }
0x6a: {  	_ =	shalt  }
0x6b: {  	_ =	shalt  }
0x6c: {  	_ =	shalt  }
0x6d: {  	_ =	shalt  }
0x6e: {  	_ =	shalt  }
0x6f: {  	_ =	shalt  }
0x70: {  	_ =	shalt  }
0x71: {  	_ =	shalt  }
0x72: {  	_ =	shalt  }
0x73: {  	_ =	shalt  }
0x74: {  	_ =	shalt  }
0x75: {  	_ =	shalt  }
0x76: {  	_ =	shalt  }
0x77: {  	_ =	shalt  }
0x78: {  	_ =	shalt  }
0x79: {  	_ =	shalt  }
0x7a: {  	_ =	shalt  }
0x7b: {  	_ =	shalt  }
0x7c: {  	_ =	shalt  }
0x7d: {  	_ =	shalt  }
0x7e: {  	_ =	shalt  }
0x7f: {  	_ =	shalt  }
0x80: {  	_ =	shalt  }
0x81: {  	_ =	shalt  }
0x82: {  	_ =	shalt  }
0x83: {  	_ =	shalt  }
0x84: {  	_ =	shalt  }
0x85: {  	_ =	shalt  }
0x86: {  	_ =	shalt  }
0x87: {  	_ =	shalt  }
.Lfunc_end0:
.L_simem_size_0:
called_computation.2_lowered:
.L_overlay_start_0:
0x88: {  	s2 =	sld [smem:$0x3FD9]  }
0x89: {  	s3 =	sld [smem:$0x3FFE];
	_ =	sdelay $0x1  }
0x8a: {  	s1 =	srdreg.scid  }
0x8b: {  	s0 =	sand.u32 $0x1, s1  }
0x8c: {  	s17 =	sshll.u32 s0, $0xA;
	s2 =	sadd.s32 s3, s2  }
0x8d: {  	s2 =	sadd.s32 s2, s17  }
0x8e: {  	[smem:$0x3FBB] =	sst s2  }
0x8f: {  	_ = 	snop  }
0x90: {  	s2 =	sld [smem:$0x3FD0];
	(tm) =	ssettm $0x1  }
0x91: {  	s18 =	sld [smem:$0x3FFB];
	_ =	sdelay $0x3  }
0x92: {  	_ =	strace s18  }
0x93: {  	s3 =	sld [smem:$0x3FFC];
	_ =	sdelay $0x3  }
0x94: {  	_ =	strace s3  }
0x95: {  	s3 =	sld [smem:$0x3FFD];
	_ =	sdelay $0x3  }
0x96: {  	_ =	strace s3  }
0x97: {  	_ =	strace $0x8FFFFFFF  }
0x98: {  	s19 =	sld [smem:$0x3FDB];
	_ =	sdelay $0x1  }
0x99: {  	s4 =	simm.s32 $_scs_section_size  }
0x9a: {  	s5 =	simm.s32 $_size__tile_overlayer_lowered;
	s6 =	simm.s32 $_tile_overlayer_lowered  }
0x9b: {  	s22 =	simm.s32 $0x1BFF;
	s21 =	sshll.u32 s6, $0x1;
	s3 =	sadd.s32 s4, s19  }
0x9c: {  	s7 =	simm.s32 $0x0;
	s20 =	sshll.u32 s5, $0x1;
	s5 =	sadd.s32 s21, s3  }
0x9d: {  	[timem:s7], [sflag:s22] =	dma.local [hbm:s5], s20  }
0x9e: {  	_ =	swait.ge [sflag:s22], s20  }
0x9f: {  	s4 =	ssub.s32 $0x0, s20;
	[sflag:s22] =	ssyncset.done $0x0  }
0xa0: {  	[sflag:s22] =	ssyncadd.s32 s4;
	_ =	sdelay $0x1  }
0xa1: {  	s23 =	simm.s32 $0x1B8B  }
0xa2: {  	_ =	swait.ge [sflag:s23], $0x1  }
0xa3: {  	[sflag:s23] =	ssyncset.done $0x0  }
0xa4: {  	s25 =	simm.s32 $0x1B8E;
	s24 =	sld [smem:$0x3FFE];
	[sflag:s23] =	ssyncadd.s32 $0xFFFFFFFF  }
0xa5: {  	s26 =	simm.s32 $execute0_lowered;
	[smem:$0x3FD2] =	sst s25  }
0xa6: {  	s5 =	sshll.u32 s26, $0x1;
	_ =	strace $0x8000004C;
	[dreg:$0x1] =	wrdreg $0xFFFFFFFF  }
0xa7: {  	s28 =	simm.s32 $_size_execute0_lowered;
	s3 =	sadd.s32 s3, s5;
	[dreg:$0x0] =	wrdreg $0x0  }
0xa8: {  	s5 =	sshll.u32 s28, $0x1;
	[dreg:$0x2] =	wrdreg s3  }
0xa9: {  	[dreg:$0x3] =	wrdreg s5  }
0xaa: {  	[dreg:$0x4] =	wrdreg $0xC0  }
0xab: {  	_ =	task [dreg:s7], $0x5FFFF  }
0xac: {  	[dreg:$0x1] =	wrdreg $0xFFFFFFFF  }
0xad: {  	[dreg:$0x0] =	wrdreg $0x60  }
0xae: {  	[dreg:$0x2] =	wrdreg s24  }
0xaf: {  	[dreg:$0x3] =	wrdreg s2  }
0xb0: {  	[dreg:$0x4] =	wrdreg $0x9  }
0xb1: {  	_ =	task.clear_ibuf [dreg:s7], $0x5FFFF;
	_ =	strace $0x9000004C  }
0xb2: {  	s29 =	simm.s32 $0x9;
	_ =	strace $0x8000004E  }
0xb3: {  	_ =	swait.ge [sflag:s29], $0x1  }
0xb4: {  	[sflag:s29] =	ssyncadd.s32 $0xFFFFFFFF  }
0xb5: {  	_ =	strace $0x9000004E  }
0xb6: {  	_ =	sfence  }
0xb7: {  	s30 =	sld [smem:$0x0];
	_ =	sdelay $0x2  }
0xb8: {  	s31 =	sshll.u32 s1, $0xD;
	s1 =	sshrl.u32 s1, $0x2  }
0xb9: {  	s3 =	sand.u32 $0x4000, s31;
	s1 =	sadd.s32 s1, s30  }
0xba: {  	s0 =	sor.u32 s3, s0;
	s1 =	sshll.u32 s1, $0x11  }
0xbb: {  	s0 =	sor.u32 s1, s0  }
0xbc: {  	s0 =	sadd.s32 $0x8F2B, s0  }
0xbd: {  	[sflag:s0] =	ssyncadd.remote.s32 $0x1  }
0xbe: {  	_ =	sfence.sel $0xFFFF  }
0xbf: {  	[dreg:$0x0] =	wrdreg $0xFFFFFFFF;
	(pc) =	sbr.abs _section_cstart, $3  }
0xc0: {  	[dreg:$0x1] =	wrdreg $0xFFFFFFFF  }
0xc1: {  	_ =	task.clear_ibuf [dreg:s7], $0x2FFFF;
	_ =	strace $0x9FFFFFFF  }
0xc2: {  	(tm) =	ssettm $0x7FFFFFFF  }
0xc3: {  	_ =	shalt  }
tec
execute0_lowered:
.L_overlay_start_1:
0x0: {  	(tag) =	ssettag $0x1  }
0x1: {  	s4 =	rddreg [dreg:$0x0]  }
0x2: {  	s0 =	srdreg.scid;
	s1 =	stileid.u32  }
0x3: {  	s6 =	rddreg [dreg:$0x1];
	s8 =	smul.u32 $0x2710, s1  }
0x4: {  	s2 =	simm.s32 $0x0;
	s3 =	sand.u32 $0x1, s0;
	s10 =	smul.u32 $0x27100, s1  }
0x5: {  	s11 =	simm.s32 $0x0;
	s0 =	rddreg [dreg:$0x2];
	s5 =	smul.u32 $0x271000, s3  }
0x6: {  	[smem:$0x7FF] =	sst s2;
	s7 =	smul.u32 $0x27100, s3;
	s9 =	ssub.s32 $0x2, s3  }
0x7: {  	_ =	strace $0x8000004D;
	s3 =	sadd.s32 $0xE600, s4;
	s30 =	sshrl.u32 s9, $0x1  }
0x8: {  	s4 =	sadd.s32 s5, s4;
	s5 =	ssub.s32 s9, s30;
	s7 =	sadd.s32 s8, s7  }
0x9: {  	s8 =	simm.s32 $0x50;
	s9 =	simm.s32 $0x80;
	s31 =	sadd.s32 s10, s4  }
0xa: {  	s4 =	smax.u32 s5, $0x1;
	s7 =	sshrl.u32 s7, $0x3;
	s10 =	simm.s32 $0x1  }
0xb: {  	s5 =	sadd.s32 $0x53F200, s31;
	s6 =	sadd.s32 s7, s6;
	s7 =	simm.s32 $0x2  }
.LBB2_1:
0xc: {  	s12 =	sadd.s32 $0x0, s6  }
0xd: {  	[tilespmem:s2], [sflag:$0x2] =	stream.linear.gather [hbm4b:s12+s2], $0x50, $0x38;
	[tilespmem:$0x2880] =	vst v63  }
0xe: {  	_ =	swait.ge [sflag:s7], $0x50  }
0xf: {  	[sflag:s7] =	ssyncset.done $0x0  }
0x10: {  	[sflag:s7] =	ssyncadd.s32 $0xFFFFFFB0  }
0x11: {  	[tilespmem:s9], [sflag:$0x1] =	stream.indirect.gather [hbm4b:s3+s8], $0x80, s2, s8, $0xb8;
	[tilespmem:$0x2880] =	vst v63  }
0x12: {  	_ =	swait.ge [sflag:s10], $0x2800  }
0x13: {  	[sflag:s10] =	ssyncset.done $0x0  }
0x14: {  	[sflag:s10] =	ssyncadd.s32 $0xFFFFD800  }
0x15: {  	[hbm4b:s5+s2] =	stream.linear.scatter [tilespmem:s9], [sflag:$0x2], $0x2800, $0x38;
	[tilespmem:$0x2880] =	vst v63  }
0x16: {  	s13 =	simm.s32 $0xA;
	_ =	swait.ge [sflag:s7], $0x2800  }
0x17: {  	s14 =	simm.s32 $0x14;
	s12 =	sadd.s32 $0x500, s5;
	[sflag:s7] =	ssyncset.done $0x0  }
.LBB2_2:
0x18: {  	s15 =	sadd.s32 s13, s6  }
0x19: {  	[sflag:s7] =	ssyncadd.s32 $0xFFFFD800;
	s13 =	smov.u32 s14;
	s16 =	sadd.s32 $0xA, s14  }
0x1a: {  	[tilespmem:s2], [sflag:$0x2] =	stream.linear.gather [hbm4b:s15+s2], $0x50, $0x38;
	[tilespmem:$0x2880] =	vst v63  }
0x1b: {  	p0 =	sne.s32 s14, $0x4D8;
	_ =	swait.ge [sflag:s7], $0x50  }
0x1c: {  	[sflag:s7] =	ssyncset.done $0x0  }
0x1d: {  	[sflag:s7] =	ssyncadd.s32 $0xFFFFFFB0  }
0x1e: {  	[tilespmem:s9], [sflag:$0x1] =	stream.indirect.gather [hbm4b:s3+s8], $0x80, s2, s8, $0xb8;
	[tilespmem:$0x2880] =	vst v63  }
0x1f: {  	_ =	swait.ge [sflag:s10], $0x2800  }
.Ltmp0:
0x20: {  	[sflag:s10] =	ssyncset.done $0x0;
	(pc) =	sbr.rel @p0 .LBB2_2-.Ltmp0, $4  }
0x21: {  	[sflag:s10] =	ssyncadd.s32 $0xFFFFD800  }
0x22: {  	[hbm4b:s12+s2] =	stream.linear.scatter [tilespmem:s9], [sflag:$0x2], $0x2800, $0x38;
	[tilespmem:$0x2880] =	vst v63  }
0x23: {  	_ =	swait.ge [sflag:s7], $0x2800  }
0x24: {  	s14 =	smov.u32 s16;
	s12 =	sadd.s32 $0x500, s12;
	[sflag:s7] =	ssyncset.done $0x0  }
0x25: {  	s13 =	sadd.s32 s13, s6;
	[sflag:s7] =	ssyncadd.s32 $0xFFFFD800  }
0x26: {  	[tilespmem:s2], [sflag:$0x2] =	stream.linear.gather [hbm4b:s13+s2], $0x50, $0x38;
	[tilespmem:$0x2880] =	vst v63  }
0x27: {  	_ =	swait.ge [sflag:s7], $0x50  }
0x28: {  	[sflag:s7] =	ssyncset.done $0x0  }
0x29: {  	[sflag:s7] =	ssyncadd.s32 $0xFFFFFFB0  }
0x2a: {  	[tilespmem:s9], [sflag:$0x1] =	stream.indirect.gather [hbm4b:s3+s8], $0x80, s2, s8, $0xb8;
	[tilespmem:$0x2880] =	vst v63  }
0x2b: {  	s11 =	sadd.s32 $0x1, s11;
	_ =	swait.ge [sflag:s10], $0x2800  }
0x2c: {  	p0 =	sne.s32 s11, s4;
	[sflag:s10] =	ssyncset.done $0x0  }
.Ltmp1:
0x2d: {  	[sflag:s10] =	ssyncadd.s32 $0xFFFFD800;
	(pc) =	sbr.rel @p0 .LBB2_1-.Ltmp1, $4  }
0x2e: {  	[hbm4b:s12+s2] =	stream.linear.scatter [tilespmem:s9], [sflag:$0x2], $0x2800, $0x38;
	[tilespmem:$0x2880] =	vst v63  }
0x2f: {  	_ =	swait.ge [sflag:s7], $0x2800  }
0x30: {  	[sflag:s7] =	ssyncset.done $0x0  }
0x31: {  	[sflag:s7] =	ssyncadd.s32 $0xFFFFD800  }
0x32: {  	_ =	sfence.sel $0x180000  }
0x33: {  	[bflag:$0x0] =	sbarrier.arrive $0xFFFF  }
0x34: {  	p0 =	sne.s32 s1, $0x0;
	_ =	strace $0x9000004D  }
0x35: {  	s0 =	sadd.s32 @!p0 $0x100000, s0;
	[bflag:$0x2] =	sbarrier.arrive $0xFFFF  }
0x36: {  	[sflag:s0] =	ssyncadd.tile.s32 @!p0 $0x1;
	_ =	shalt  }
.Lfunc_end2:
_tile_overlayer_lowered:
.L_overlay_start_2:
0x37: {  	(tag) =	ssettag $0x2  }
0x38: {  	s0 =	rddreg [dreg:$0x0];
	s2 =	stileid.u32  }
0x39: {  	s1 =	rddreg [dreg:$0x1];
	p0 =	sne.s32 s2, $0x0  }
0x3a: {  	s3 =	rddreg [dreg:$0x2];
	[bflag:$0x3] =	sbarrier.arrive $0xFFFF;
	s2 =	simm.s32 @!p0 $0x1C02  }
0x3b: {  	[timem:s3], [sflag:s2] =	dma.local @!p0 [hbm:s0], s1  }
0x3c: {  	s0 =	simm.s32 @!p0 $0x2  }
0x3d: {  	_ =	swait.ge @!p0 [sflag:s0], s1  }
0x3e: {  	s1 =	ssub.s32 @!p0 $0x0, s1;
	[sflag:s0] =	ssyncset.done @!p0 $0x0  }
0x3f: {  	[sflag:s0] =	ssyncadd.s32 @!p0 s1  }
0x40: {  	[bflag:$0x3] =	sbarrier.arrive $0xFFFF  }
0x41: {  	_ =	shalt  }

</sc_bundles>
